<compile_context>
chip_gen: v7x
topology: tpu7x:2x2x1
jax: 0.10.2.dev20260603
libtpu: 0.0.44.dev20260713+nightly
codegen_flags: <defaults>
</compile_context>

<pallas_src>
import functools

import jax
import jax.numpy as jnp
from jax import lax
from jax.experimental import pallas as pl
from jax.experimental.pallas import tpu as pltpu
from jax.experimental.pallas import tpu_sc as plsc

D = 64
DP = 128
NC, NS = 2, 16
NW = NC * NS
SPLIT = 128
NBUF = 4
NB2 = 2 * NBUF
TBLK = 32768


def _tc_repack(tt):
    F, V = tt.shape
    grid = (V + TBLK - 1) // TBLK

    def body(tt_ref, out_ref):
        y = tt_ref[...].T
        out_ref[:, pl.ds(0, F)] = y
        out_ref[:, pl.ds(F, F)] = y

    return pl.pallas_call(
        body,
        grid=(grid,),
        in_specs=[pl.BlockSpec((F, TBLK), lambda i: (0, i))],
        out_specs=pl.BlockSpec((TBLK, 2 * F), lambda i: (i, 0)),
        out_shape=jax.ShapeDtypeStruct((V, 2 * F), jnp.float32),
        compiler_params=pltpu.CompilerParams(
            vmem_limit_bytes=100 * 1024 * 1024
        ),
    )(tt)


def _sc_embed(idx, table):
    B, H = idx.shape
    assert B % NW == 0 and table.shape[1] == D
    R = B // NW
    assert (R - 2 * NBUF) % NB2 == 0 and R >= 2 * NB2
    mesh = plsc.VectorSubcoreMesh(core_axis_name="c", subcore_axis_name="s")

    @functools.partial(
        pl.kernel,
        out_type=jax.ShapeDtypeStruct((B, H, DP), jnp.float32),
        mesh=mesh,
        compiler_params=pltpu.CompilerParams(use_tc_tiling_on_sc=False),
        scratch_types=[
            pltpu.VMEM((R, H), jnp.int32),
            [pltpu.VMEM((1, H, D), jnp.float32) for _ in range(NB2)],
            [pltpu.SemaphoreType.DMA for _ in range(NB2)],
            [pltpu.SemaphoreType.DMA for _ in range(NB2)],
        ],
    )
    def k(table_hbm, idx_hbm, out_hbm, idx_v, bufs, gsems, osems):
        wid = lax.axis_index("s") * NC + lax.axis_index("c")
        rbase = wid * R
        pltpu.sync_copy(idx_hbm.at[pl.ds(rbase, R)], idx_v)

        def gathers(r, b):
            return (
                pltpu.make_async_copy(
                    table_hbm.at[idx_v.at[r, pl.ds(0, SPLIT)]],
                    bufs[b].at[0, pl.ds(0, SPLIT)],
                    gsems[b],
                ),
                pltpu.make_async_copy(
                    table_hbm.at[idx_v.at[r, pl.ds(SPLIT, H - SPLIT)]],
                    bufs[b].at[0, pl.ds(SPLIT, H - SPLIT)],
                    gsems[b],
                ),
            )

        def fire(r, b):
            g0, g1 = gathers(r, b)
            g0.start()
            g1.start()

        def drain(r, b):
            g0, g1 = gathers(r, b)
            g0.wait()
            g1.wait()

        def write(r, b):
            return pltpu.make_async_copy(
                bufs[b],
                out_hbm.at[pl.ds(rbase + r, 1), pl.ds(0, H), pl.ds(0, D)],
                osems[b],
            )

        for b in range(NBUF):
            fire(b, b)

        for r in range(NBUF):
            drain(r, r)
            write(r, r).start()
            fire(r + NBUF, r + NBUF)

        def body(o, carry):
            for s in range(NB2):
                r = NBUF + o * NB2 + s
                b = (NBUF + s) % NB2
                drain(r, b)
                write(r, b).start()
                j = r + NBUF
                bj = s
                write(j - NB2, bj).wait()
                fire(j, bj)
            return carry

        lax.fori_loop(0, (R - 2 * NBUF) // NB2, body, 0)

        for r in range(R - NBUF, R):
            b = r % NB2
            drain(r, b)
            write(r, b).start()

        for b in range(NB2):
            write(R - NB2 + b, b).wait()

    return k(table, idx)


def kernel(inputs, table):
    wide = _tc_repack(table.T)
    compact = wide.reshape(-1, D)
    out = _sc_embed(inputs.astype(jnp.int32) * 2, compact)
    return out[:, :, :D]

# --- scband reference (transcript-rebuilt; emitter-appended) ---
"""Pipeline reference for scband-token-embedding-28140625723837 (READ-ONLY COPY).

The authoritative reference and input builder live on the scoring server;
editing this copy changes nothing except your own understanding.
"""

import jax, jax.numpy as jnp
import numpy as np

VOCAB_SIZE = 1000000
HIDDEN_SIZE = 64
BATCH = 4096
HIST_LEN = 200

def setup_inputs(seed: int = 0) -> dict:
    key = jax.random.key(seed)
    k_idx, k_tab = jax.random.split(key)
    inputs = jax.random.randint(k_idx, (BATCH, HIST_LEN), 0, VOCAB_SIZE, dtype=jnp.int64 if jax.config.jax_enable_x64 else jnp.int32)
    table = jax.random.normal(k_tab, (VOCAB_SIZE, HIDDEN_SIZE), dtype=jnp.float32) * 0.02
    return {"inputs": inputs, "table": table}

def reference(inputs, table):
    # tf.keras.layers.Embedding lookup; mask_zero=True only affects mask
    # propagation downstream, the returned values are a plain gather.
    out = jnp.take(table, inputs, axis=0)
    return out

if __name__ == "__main__":
    import jax
    _d = setup_inputs()
    print(jax.jit(kernel)(*tuple(_d.values())))

</pallas_src>

<mosaic_0001>
#map = affine_map<(d0, d1) -> (0, 0)>
#map1 = affine_map<(d0, d1) -> (0, 0, 0)>
module attributes {stable_mosaic.version = 14 : i64} {
  func.func @k(%arg0: i32, %arg1: i32, %arg2: memref<2000000x64xf32, #tpu.memory_space<hbm>>, %arg3: memref<4096x200xi32, #tpu.memory_space<hbm>>, %arg4: memref<4096x200x128xf32, #tpu.memory_space<hbm>>, %arg5: memref<128x200xi32, #tpu.memory_space<vmem>>, %arg6: memref<1x200x64xf32, #tpu.memory_space<vmem>>, %arg7: memref<1x200x64xf32, #tpu.memory_space<vmem>>, %arg8: memref<1x200x64xf32, #tpu.memory_space<vmem>>, %arg9: memref<1x200x64xf32, #tpu.memory_space<vmem>>, %arg10: memref<1x200x64xf32, #tpu.memory_space<vmem>>, %arg11: memref<1x200x64xf32, #tpu.memory_space<vmem>>, %arg12: memref<1x200x64xf32, #tpu.memory_space<vmem>>, %arg13: memref<1x200x64xf32, #tpu.memory_space<vmem>>, %arg14: memref<!tpu.dma_semaphore, #tpu.memory_space<semaphore_mem>>, %arg15: memref<!tpu.dma_semaphore, #tpu.memory_space<semaphore_mem>>, %arg16: memref<!tpu.dma_semaphore, #tpu.memory_space<semaphore_mem>>, %arg17: memref<!tpu.dma_semaphore, #tpu.memory_space<semaphore_mem>>, %arg18: memref<!tpu.dma_semaphore, #tpu.memory_space<semaphore_mem>>, %arg19: memref<!tpu.dma_semaphore, #tpu.memory_space<semaphore_mem>>, %arg20: memref<!tpu.dma_semaphore, #tpu.memory_space<semaphore_mem>>, %arg21: memref<!tpu.dma_semaphore, #tpu.memory_space<semaphore_mem>>, %arg22: memref<!tpu.dma_semaphore, #tpu.memory_space<semaphore_mem>>, %arg23: memref<!tpu.dma_semaphore, #tpu.memory_space<semaphore_mem>>, %arg24: memref<!tpu.dma_semaphore, #tpu.memory_space<semaphore_mem>>, %arg25: memref<!tpu.dma_semaphore, #tpu.memory_space<semaphore_mem>>, %arg26: memref<!tpu.dma_semaphore, #tpu.memory_space<semaphore_mem>>, %arg27: memref<!tpu.dma_semaphore, #tpu.memory_space<semaphore_mem>>, %arg28: memref<!tpu.dma_semaphore, #tpu.memory_space<semaphore_mem>>, %arg29: memref<!tpu.dma_semaphore, #tpu.memory_space<semaphore_mem>>) attributes {dimension_semantics = [#tpu.dimension_semantics<core_parallel>, #tpu.dimension_semantics<subcore_parallel>], iteration_bounds = array<i64: 2, 16>, scalar_prefetch = 0 : i64, scratch_operands = 25 : i64, tpu.core_type = #tpu.core_type<sc_vector_subcore>, window_params = [{transform_indices = #map}, {transform_indices = #map}, {transform_indices = #map1}]} {
    %mul3A = arith.constant 2 : i32
    %mul3A_0 = arith.muli %arg1, %mul3A : i32
    %add3A = arith.addi %mul3A_0, %arg0 : i32
    %mul3A_1 = arith.constant 128 : i32
    %mul3A_2 = arith.muli %add3A, %mul3A_1 : i32
    "tpu.region"() ({
      %run_scoped3A = tpu.sem_alloc : memref<!tpu.dma_semaphore, #tpu.memory_space<semaphore_mem>>
      %dma_start3A_518 = arith.constant 0 : i32
      %dma_start3A_519 = tpu.memref_slice %arg3[%mul3A_2, %dma_start3A_518] : memref<4096x200xi32, #tpu.memory_space<hbm>> -> memref<128x200xi32, #tpu.memory_space<hbm>>
      %dma_start3A_520 = arith.constant 0 : i32
      %dma_start3A_521 = tpu.memref_slice %arg3[%mul3A_2, %dma_start3A_520] : memref<4096x200xi32, #tpu.memory_space<hbm>> -> memref<128x200xi32, #tpu.memory_space<hbm>>
      tpu.enqueue_dma source(%dma_start3A_521 : memref<128x200xi32, #tpu.memory_space<hbm>>) target(%arg5 : memref<128x200xi32, #tpu.memory_space<vmem>>) target_semaphore(%run_scoped3A : memref<!tpu.dma_semaphore, #tpu.memory_space<semaphore_mem>>)
      %dma_wait3A_522 = arith.constant 0 : i32
      %dma_wait3A_523 = tpu.memref_slice %arg3[%mul3A_2, %dma_wait3A_522] : memref<4096x200xi32, #tpu.memory_space<hbm>> -> memref<128x200xi32, #tpu.memory_space<hbm>>
      %dma_wait3A_524 = arith.constant 0 : i32
      %dma_wait3A_525 = tpu.memref_slice %arg3[%mul3A_2, %dma_wait3A_524] : memref<4096x200xi32, #tpu.memory_space<hbm>> -> memref<128x200xi32, #tpu.memory_space<hbm>>
      tpu.wait_dma2 semaphore(%run_scoped3A : memref<!tpu.dma_semaphore, #tpu.memory_space<semaphore_mem>>) src(%dma_wait3A_525 : memref<128x200xi32, #tpu.memory_space<hbm>>) dst(%arg5 : memref<128x200xi32, #tpu.memory_space<vmem>>)
      tpu.yield
    }) : () -> ()
    %dma_start3A = arith.constant 0 : i32
    %dma_start3A_3 = arith.constant 0 : i32
    %dma_start3A_4 = arith.constant 0 : i32
    %dma_start3A_5 = arith.constant 0 : i32
    %dma_start3A_6 = tpu.memref_slice %arg6[%dma_start3A_3, %dma_start3A_4, %dma_start3A_5] : memref<1x200x64xf32, #tpu.memory_space<vmem>> -> memref<1x128x64xf32, #tpu.memory_space<vmem>>
    %dma_start3A_7 = tpu.memref_squeeze %dma_start3A_6 : memref<1x128x64xf32, #tpu.memory_space<vmem>> -> memref<128x64xf32, #tpu.memory_space<vmem>>
    %dma_start3A_8 = arith.constant 0 : i32
    %dma_start3A_9 = tpu.memref_slice %arg5[%dma_start3A, %dma_start3A_8] : memref<128x200xi32, #tpu.memory_space<vmem>> -> memref<1x128xi32, #tpu.memory_space<vmem>>
    %dma_start3A_10 = tpu.memref_squeeze %dma_start3A_9 : memref<1x128xi32, #tpu.memory_space<vmem>> -> memref<128xi32, #tpu.memory_space<vmem>>
    %dma_start3A_11 = arith.constant 0 : i32
    %dma_start3A_12 = arith.constant 0 : i32
    %dma_start3A_13 = tpu.memref_slice %arg2[%dma_start3A_11, %dma_start3A_12] : memref<2000000x64xf32, #tpu.memory_space<hbm>> -> memref<2000000x64xf32, #tpu.memory_space<hbm>>
    tpu.enqueue_indirect_dma source(%dma_start3A_13 : memref<2000000x64xf32, #tpu.memory_space<hbm>>) target(%dma_start3A_7 : memref<128x64xf32, #tpu.memory_space<vmem>>) offsets(%dma_start3A_10 : memref<128xi32, #tpu.memory_space<vmem>>) semaphore(%arg14 : memref<!tpu.dma_semaphore, #tpu.memory_space<semaphore_mem>>)
    %dma_start3A_14 = arith.constant 0 : i32
    %dma_start3A_15 = arith.constant 0 : i32
    %dma_start3A_16 = arith.constant 128 : i32
    %dma_start3A_17 = arith.constant 0 : i32
    %dma_start3A_18 = tpu.memref_slice %arg6[%dma_start3A_15, %dma_start3A_16, %dma_start3A_17] : memref<1x200x64xf32, #tpu.memory_space<vmem>> -> memref<1x72x64xf32, #tpu.memory_space<vmem>>
    %dma_start3A_19 = tpu.memref_squeeze %dma_start3A_18 : memref<1x72x64xf32, #tpu.memory_space<vmem>> -> memref<72x64xf32, #tpu.memory_space<vmem>>
    %dma_start3A_20 = arith.constant 128 : i32
    %dma_start3A_21 = tpu.memref_slice %arg5[%dma_start3A_14, %dma_start3A_20] : memref<128x200xi32, #tpu.memory_space<vmem>> -> memref<1x72xi32, #tpu.memory_space<vmem>>
    %dma_start3A_22 = tpu.memref_squeeze %dma_start3A_21 : memref<1x72xi32, #tpu.memory_space<vmem>> -> memref<72xi32, #tpu.memory_space<vmem>>
    %dma_start3A_23 = arith.constant 0 : i32
    %dma_start3A_24 = arith.constant 0 : i32
    %dma_start3A_25 = tpu.memref_slice %arg2[%dma_start3A_23, %dma_start3A_24] : memref<2000000x64xf32, #tpu.memory_space<hbm>> -> memref<2000000x64xf32, #tpu.memory_space<hbm>>
    tpu.enqueue_indirect_dma source(%dma_start3A_25 : memref<2000000x64xf32, #tpu.memory_space<hbm>>) target(%dma_start3A_19 : memref<72x64xf32, #tpu.memory_space<vmem>>) offsets(%dma_start3A_22 : memref<72xi32, #tpu.memory_space<vmem>>) semaphore(%arg14 : memref<!tpu.dma_semaphore, #tpu.memory_space<semaphore_mem>>)
    %dma_start3A_26 = arith.constant 1 : i32
    %dma_start3A_27 = arith.constant 0 : i32
    %dma_start3A_28 = arith.constant 0 : i32
    %dma_start3A_29 = arith.constant 0 : i32
    %dma_start3A_30 = tpu.memref_slice %arg7[%dma_start3A_27, %dma_start3A_28, %dma_start3A_29] : memref<1x200x64xf32, #tpu.memory_space<vmem>> -> memref<1x128x64xf32, #tpu.memory_space<vmem>>
    %dma_start3A_31 = tpu.memref_squeeze %dma_start3A_30 : memref<1x128x64xf32, #tpu.memory_space<vmem>> -> memref<128x64xf32, #tpu.memory_space<vmem>>
    %dma_start3A_32 = arith.constant 0 : i32
    %dma_start3A_33 = tpu.memref_slice %arg5[%dma_start3A_26, %dma_start3A_32] : memref<128x200xi32, #tpu.memory_space<vmem>> -> memref<1x128xi32, #tpu.memory_space<vmem>>
    %dma_start3A_34 = tpu.memref_squeeze %dma_start3A_33 : memref<1x128xi32, #tpu.memory_space<vmem>> -> memref<128xi32, #tpu.memory_space<vmem>>
    %dma_start3A_35 = arith.constant 0 : i32
    %dma_start3A_36 = arith.constant 0 : i32
    %dma_start3A_37 = tpu.memref_slice %arg2[%dma_start3A_35, %dma_start3A_36] : memref<2000000x64xf32, #tpu.memory_space<hbm>> -> memref<2000000x64xf32, #tpu.memory_space<hbm>>
    tpu.enqueue_indirect_dma source(%dma_start3A_37 : memref<2000000x64xf32, #tpu.memory_space<hbm>>) target(%dma_start3A_31 : memref<128x64xf32, #tpu.memory_space<vmem>>) offsets(%dma_start3A_34 : memref<128xi32, #tpu.memory_space<vmem>>) semaphore(%arg15 : memref<!tpu.dma_semaphore, #tpu.memory_space<semaphore_mem>>)
    %dma_start3A_38 = arith.constant 1 : i32
    %dma_start3A_39 = arith.constant 0 : i32
    %dma_start3A_40 = arith.constant 128 : i32
    %dma_start3A_41 = arith.constant 0 : i32
    %dma_start3A_42 = tpu.memref_slice %arg7[%dma_start3A_39, %dma_start3A_40, %dma_start3A_41] : memref<1x200x64xf32, #tpu.memory_space<vmem>> -> memref<1x72x64xf32, #tpu.memory_space<vmem>>
    %dma_start3A_43 = tpu.memref_squeeze %dma_start3A_42 : memref<1x72x64xf32, #tpu.memory_space<vmem>> -> memref<72x64xf32, #tpu.memory_space<vmem>>
    %dma_start3A_44 = arith.constant 128 : i32
    %dma_start3A_45 = tpu.memref_slice %arg5[%dma_start3A_38, %dma_start3A_44] : memref<128x200xi32, #tpu.memory_space<vmem>> -> memref<1x72xi32, #tpu.memory_space<vmem>>
    %dma_start3A_46 = tpu.memref_squeeze %dma_start3A_45 : memref<1x72xi32, #tpu.memory_space<vmem>> -> memref<72xi32, #tpu.memory_space<vmem>>
    %dma_start3A_47 = arith.constant 0 : i32
    %dma_start3A_48 = arith.constant 0 : i32
    %dma_start3A_49 = tpu.memref_slice %arg2[%dma_start3A_47, %dma_start3A_48] : memref<2000000x64xf32, #tpu.memory_space<hbm>> -> memref<2000000x64xf32, #tpu.memory_space<hbm>>
    tpu.enqueue_indirect_dma source(%dma_start3A_49 : memref<2000000x64xf32, #tpu.memory_space<hbm>>) target(%dma_start3A_43 : memref<72x64xf32, #tpu.memory_space<vmem>>) offsets(%dma_start3A_46 : memref<72xi32, #tpu.memory_space<vmem>>) semaphore(%arg15 : memref<!tpu.dma_semaphore, #tpu.memory_space<semaphore_mem>>)
    %dma_start3A_50 = arith.constant 2 : i32
    %dma_start3A_51 = arith.constant 0 : i32
    %dma_start3A_52 = arith.constant 0 : i32
    %dma_start3A_53 = arith.constant 0 : i32
    %dma_start3A_54 = tpu.memref_slice %arg8[%dma_start3A_51, %dma_start3A_52, %dma_start3A_53] : memref<1x200x64xf32, #tpu.memory_space<vmem>> -> memref<1x128x64xf32, #tpu.memory_space<vmem>>
    %dma_start3A_55 = tpu.memref_squeeze %dma_start3A_54 : memref<1x128x64xf32, #tpu.memory_space<vmem>> -> memref<128x64xf32, #tpu.memory_space<vmem>>
    %dma_start3A_56 = arith.constant 0 : i32
    %dma_start3A_57 = tpu.memref_slice %arg5[%dma_start3A_50, %dma_start3A_56] : memref<128x200xi32, #tpu.memory_space<vmem>> -> memref<1x128xi32, #tpu.memory_space<vmem>>
    %dma_start3A_58 = tpu.memref_squeeze %dma_start3A_57 : memref<1x128xi32, #tpu.memory_space<vmem>> -> memref<128xi32, #tpu.memory_space<vmem>>
    %dma_start3A_59 = arith.constant 0 : i32
    %dma_start3A_60 = arith.constant 0 : i32
    %dma_start3A_61 = tpu.memref_slice %arg2[%dma_start3A_59, %dma_start3A_60] : memref<2000000x64xf32, #tpu.memory_space<hbm>> -> memref<2000000x64xf32, #tpu.memory_space<hbm>>
    tpu.enqueue_indirect_dma source(%dma_start3A_61 : memref<2000000x64xf32, #tpu.memory_space<hbm>>) target(%dma_start3A_55 : memref<128x64xf32, #tpu.memory_space<vmem>>) offsets(%dma_start3A_58 : memref<128xi32, #tpu.memory_space<vmem>>) semaphore(%arg16 : memref<!tpu.dma_semaphore, #tpu.memory_space<semaphore_mem>>)
    %dma_start3A_62 = arith.constant 2 : i32
    %dma_start3A_63 = arith.constant 0 : i32
    %dma_start3A_64 = arith.constant 128 : i32
    %dma_start3A_65 = arith.constant 0 : i32
    %dma_start3A_66 = tpu.memref_slice %arg8[%dma_start3A_63, %dma_start3A_64, %dma_start3A_65] : memref<1x200x64xf32, #tpu.memory_space<vmem>> -> memref<1x72x64xf32, #tpu.memory_space<vmem>>
    %dma_start3A_67 = tpu.memref_squeeze %dma_start3A_66 : memref<1x72x64xf32, #tpu.memory_space<vmem>> -> memref<72x64xf32, #tpu.memory_space<vmem>>
    %dma_start3A_68 = arith.constant 128 : i32
    %dma_start3A_69 = tpu.memref_slice %arg5[%dma_start3A_62, %dma_start3A_68] : memref<128x200xi32, #tpu.memory_space<vmem>> -> memref<1x72xi32, #tpu.memory_space<vmem>>
    %dma_start3A_70 = tpu.memref_squeeze %dma_start3A_69 : memref<1x72xi32, #tpu.memory_space<vmem>> -> memref<72xi32, #tpu.memory_space<vmem>>
    %dma_start3A_71 = arith.constant 0 : i32
    %dma_start3A_72 = arith.constant 0 : i32
    %dma_start3A_73 = tpu.memref_slice %arg2[%dma_start3A_71, %dma_start3A_72] : memref<2000000x64xf32, #tpu.memory_space<hbm>> -> memref<2000000x64xf32, #tpu.memory_space<hbm>>
    tpu.enqueue_indirect_dma source(%dma_start3A_73 : memref<2000000x64xf32, #tpu.memory_space<hbm>>) target(%dma_start3A_67 : memref<72x64xf32, #tpu.memory_space<vmem>>) offsets(%dma_start3A_70 : memref<72xi32, #tpu.memory_space<vmem>>) semaphore(%arg16 : memref<!tpu.dma_semaphore, #tpu.memory_space<semaphore_mem>>)
    %dma_start3A_74 = arith.constant 3 : i32
    %dma_start3A_75 = arith.constant 0 : i32
    %dma_start3A_76 = arith.constant 0 : i32
    %dma_start3A_77 = arith.constant 0 : i32
    %dma_start3A_78 = tpu.memref_slice %arg9[%dma_start3A_75, %dma_start3A_76, %dma_start3A_77] : memref<1x200x64xf32, #tpu.memory_space<vmem>> -> memref<1x128x64xf32, #tpu.memory_space<vmem>>
    %dma_start3A_79 = tpu.memref_squeeze %dma_start3A_78 : memref<1x128x64xf32, #tpu.memory_space<vmem>> -> memref<128x64xf32, #tpu.memory_space<vmem>>
    %dma_start3A_80 = arith.constant 0 : i32
    %dma_start3A_81 = tpu.memref_slice %arg5[%dma_start3A_74, %dma_start3A_80] : memref<128x200xi32, #tpu.memory_space<vmem>> -> memref<1x128xi32, #tpu.memory_space<vmem>>
    %dma_start3A_82 = tpu.memref_squeeze %dma_start3A_81 : memref<1x128xi32, #tpu.memory_space<vmem>> -> memref<128xi32, #tpu.memory_space<vmem>>
    %dma_start3A_83 = arith.constant 0 : i32
    %dma_start3A_84 = arith.constant 0 : i32
    %dma_start3A_85 = tpu.memref_slice %arg2[%dma_start3A_83, %dma_start3A_84] : memref<2000000x64xf32, #tpu.memory_space<hbm>> -> memref<2000000x64xf32, #tpu.memory_space<hbm>>
    tpu.enqueue_indirect_dma source(%dma_start3A_85 : memref<2000000x64xf32, #tpu.memory_space<hbm>>) target(%dma_start3A_79 : memref<128x64xf32, #tpu.memory_space<vmem>>) offsets(%dma_start3A_82 : memref<128xi32, #tpu.memory_space<vmem>>) semaphore(%arg17 : memref<!tpu.dma_semaphore, #tpu.memory_space<semaphore_mem>>)
    %dma_start3A_86 = arith.constant 3 : i32
    %dma_start3A_87 = arith.constant 0 : i32
    %dma_start3A_88 = arith.constant 128 : i32
    %dma_start3A_89 = arith.constant 0 : i32
    %dma_start3A_90 = tpu.memref_slice %arg9[%dma_start3A_87, %dma_start3A_88, %dma_start3A_89] : memref<1x200x64xf32, #tpu.memory_space<vmem>> -> memref<1x72x64xf32, #tpu.memory_space<vmem>>
    %dma_start3A_91 = tpu.memref_squeeze %dma_start3A_90 : memref<1x72x64xf32, #tpu.memory_space<vmem>> -> memref<72x64xf32, #tpu.memory_space<vmem>>
    %dma_start3A_92 = arith.constant 128 : i32
    %dma_start3A_93 = tpu.memref_slice %arg5[%dma_start3A_86, %dma_start3A_92] : memref<128x200xi32, #tpu.memory_space<vmem>> -> memref<1x72xi32, #tpu.memory_space<vmem>>
    %dma_start3A_94 = tpu.memref_squeeze %dma_start3A_93 : memref<1x72xi32, #tpu.memory_space<vmem>> -> memref<72xi32, #tpu.memory_space<vmem>>
    %dma_start3A_95 = arith.constant 0 : i32
    %dma_start3A_96 = arith.constant 0 : i32
    %dma_start3A_97 = tpu.memref_slice %arg2[%dma_start3A_95, %dma_start3A_96] : memref<2000000x64xf32, #tpu.memory_space<hbm>> -> memref<2000000x64xf32, #tpu.memory_space<hbm>>
    tpu.enqueue_indirect_dma source(%dma_start3A_97 : memref<2000000x64xf32, #tpu.memory_space<hbm>>) target(%dma_start3A_91 : memref<72x64xf32, #tpu.memory_space<vmem>>) offsets(%dma_start3A_94 : memref<72xi32, #tpu.memory_space<vmem>>) semaphore(%arg17 : memref<!tpu.dma_semaphore, #tpu.memory_space<semaphore_mem>>)
    %dma_wait3A = arith.constant 0 : i32
    %dma_wait3A_98 = arith.constant 0 : i32
    %dma_wait3A_99 = arith.constant 0 : i32
    %dma_wait3A_100 = arith.constant 0 : i32
    %dma_wait3A_101 = tpu.memref_slice %arg6[%dma_wait3A_98, %dma_wait3A_99, %dma_wait3A_100] : memref<1x200x64xf32, #tpu.memory_space<vmem>> -> memref<1x128x64xf32, #tpu.memory_space<vmem>>
    %dma_wait3A_102 = tpu.memref_squeeze %dma_wait3A_101 : memref<1x128x64xf32, #tpu.memory_space<vmem>> -> memref<128x64xf32, #tpu.memory_space<vmem>>
    %dma_wait3A_103 = arith.constant 0 : i32
    %dma_wait3A_104 = tpu.memref_slice %arg5[%dma_wait3A, %dma_wait3A_103] : memref<128x200xi32, #tpu.memory_space<vmem>> -> memref<1x128xi32, #tpu.memory_space<vmem>>
    %dma_wait3A_105 = tpu.memref_squeeze %dma_wait3A_104 : memref<1x128xi32, #tpu.memory_space<vmem>> -> memref<128xi32, #tpu.memory_space<vmem>>
    %dma_wait3A_106 = arith.constant 0 : i32
    %dma_wait3A_107 = arith.constant 0 : i32
    %dma_wait3A_108 = tpu.memref_slice %arg2[%dma_wait3A_106, %dma_wait3A_107] : memref<2000000x64xf32, #tpu.memory_space<hbm>> -> memref<2000000x64xf32, #tpu.memory_space<hbm>>
    tpu.wait_indirect_dma semaphore(%arg14 : memref<!tpu.dma_semaphore, #tpu.memory_space<semaphore_mem>>) src(%dma_wait3A_108 : memref<2000000x64xf32, #tpu.memory_space<hbm>>) dst(%dma_wait3A_102 : memref<128x64xf32, #tpu.memory_space<vmem>>)
    %dma_wait3A_109 = arith.constant 0 : i32
    %dma_wait3A_110 = arith.constant 0 : i32
    %dma_wait3A_111 = arith.constant 128 : i32
    %dma_wait3A_112 = arith.constant 0 : i32
    %dma_wait3A_113 = tpu.memref_slice %arg6[%dma_wait3A_110, %dma_wait3A_111, %dma_wait3A_112] : memref<1x200x64xf32, #tpu.memory_space<vmem>> -> memref<1x72x64xf32, #tpu.memory_space<vmem>>
    %dma_wait3A_114 = tpu.memref_squeeze %dma_wait3A_113 : memref<1x72x64xf32, #tpu.memory_space<vmem>> -> memref<72x64xf32, #tpu.memory_space<vmem>>
    %dma_wait3A_115 = arith.constant 128 : i32
    %dma_wait3A_116 = tpu.memref_slice %arg5[%dma_wait3A_109, %dma_wait3A_115] : memref<128x200xi32, #tpu.memory_space<vmem>> -> memref<1x72xi32, #tpu.memory_space<vmem>>
    %dma_wait3A_117 = tpu.memref_squeeze %dma_wait3A_116 : memref<1x72xi32, #tpu.memory_space<vmem>> -> memref<72xi32, #tpu.memory_space<vmem>>
    %dma_wait3A_118 = arith.constant 0 : i32
    %dma_wait3A_119 = arith.constant 0 : i32
    %dma_wait3A_120 = tpu.memref_slice %arg2[%dma_wait3A_118, %dma_wait3A_119] : memref<2000000x64xf32, #tpu.memory_space<hbm>> -> memref<2000000x64xf32, #tpu.memory_space<hbm>>
    tpu.wait_indirect_dma semaphore(%arg14 : memref<!tpu.dma_semaphore, #tpu.memory_space<semaphore_mem>>) src(%dma_wait3A_120 : memref<2000000x64xf32, #tpu.memory_space<hbm>>) dst(%dma_wait3A_114 : memref<72x64xf32, #tpu.memory_space<vmem>>)
    %add3A_121 = arith.constant 0 : i32
    %add3A_122 = arith.addi %mul3A_2, %add3A_121 : i32
    %dma_start3A_123 = arith.constant 0 : i32
    %dma_start3A_124 = arith.constant 0 : i32
    %dma_start3A_125 = tpu.memref_slice %arg4[%add3A_122, %dma_start3A_123, %dma_start3A_124] : memref<4096x200x128xf32, #tpu.memory_space<hbm>> -> memref<1x200x64xf32, #tpu.memory_space<hbm>>
    %dma_start3A_126 = arith.constant 0 : i32
    %dma_start3A_127 = arith.constant 0 : i32
    %dma_start3A_128 = tpu.memref_slice %arg4[%add3A_122, %dma_start3A_126, %dma_start3A_127] : memref<4096x200x128xf32, #tpu.memory_space<hbm>> -> memref<1x200x64xf32, #tpu.memory_space<hbm>>
    tpu.enqueue_dma source(%arg6 : memref<1x200x64xf32, #tpu.memory_space<vmem>>) target(%dma_start3A_128 : memref<1x200x64xf32, #tpu.memory_space<hbm>>) target_semaphore(%arg22 : memref<!tpu.dma_semaphore, #tpu.memory_space<semaphore_mem>>)
    %dma_start3A_129 = arith.constant 4 : i32
    %dma_start3A_130 = arith.constant 0 : i32
    %dma_start3A_131 = arith.constant 0 : i32
    %dma_start3A_132 = arith.constant 0 : i32
    %dma_start3A_133 = tpu.memref_slice %arg10[%dma_start3A_130, %dma_start3A_131, %dma_start3A_132] : memref<1x200x64xf32, #tpu.memory_space<vmem>> -> memref<1x128x64xf32, #tpu.memory_space<vmem>>
    %dma_start3A_134 = tpu.memref_squeeze %dma_start3A_133 : memref<1x128x64xf32, #tpu.memory_space<vmem>> -> memref<128x64xf32, #tpu.memory_space<vmem>>
    %dma_start3A_135 = arith.constant 0 : i32
    %dma_start3A_136 = tpu.memref_slice %arg5[%dma_start3A_129, %dma_start3A_135] : memref<128x200xi32, #tpu.memory_space<vmem>> -> memref<1x128xi32, #tpu.memory_space<vmem>>
    %dma_start3A_137 = tpu.memref_squeeze %dma_start3A_136 : memref<1x128xi32, #tpu.memory_space<vmem>> -> memref<128xi32, #tpu.memory_space<vmem>>
    %dma_start3A_138 = arith.constant 0 : i32
    %dma_start3A_139 = arith.constant 0 : i32
    %dma_start3A_140 = tpu.memref_slice %arg2[%dma_start3A_138, %dma_start3A_139] : memref<2000000x64xf32, #tpu.memory_space<hbm>> -> memref<2000000x64xf32, #tpu.memory_space<hbm>>
    tpu.enqueue_indirect_dma source(%dma_start3A_140 : memref<2000000x64xf32, #tpu.memory_space<hbm>>) target(%dma_start3A_134 : memref<128x64xf32, #tpu.memory_space<vmem>>) offsets(%dma_start3A_137 : memref<128xi32, #tpu.memory_space<vmem>>) semaphore(%arg18 : memref<!tpu.dma_semaphore, #tpu.memory_space<semaphore_mem>>)
    %dma_start3A_141 = arith.constant 4 : i32
    %dma_start3A_142 = arith.constant 0 : i32
    %dma_start3A_143 = arith.constant 128 : i32
    %dma_start3A_144 = arith.constant 0 : i32
    %dma_start3A_145 = tpu.memref_slice %arg10[%dma_start3A_142, %dma_start3A_143, %dma_start3A_144] : memref<1x200x64xf32, #tpu.memory_space<vmem>> -> memref<1x72x64xf32, #tpu.memory_space<vmem>>
    %dma_start3A_146 = tpu.memref_squeeze %dma_start3A_145 : memref<1x72x64xf32, #tpu.memory_space<vmem>> -> memref<72x64xf32, #tpu.memory_space<vmem>>
    %dma_start3A_147 = arith.constant 128 : i32
    %dma_start3A_148 = tpu.memref_slice %arg5[%dma_start3A_141, %dma_start3A_147] : memref<128x200xi32, #tpu.memory_space<vmem>> -> memref<1x72xi32, #tpu.memory_space<vmem>>
    %dma_start3A_149 = tpu.memref_squeeze %dma_start3A_148 : memref<1x72xi32, #tpu.memory_space<vmem>> -> memref<72xi32, #tpu.memory_space<vmem>>
    %dma_start3A_150 = arith.constant 0 : i32
    %dma_start3A_151 = arith.constant 0 : i32
    %dma_start3A_152 = tpu.memref_slice %arg2[%dma_start3A_150, %dma_start3A_151] : memref<2000000x64xf32, #tpu.memory_space<hbm>> -> memref<2000000x64xf32, #tpu.memory_space<hbm>>
    tpu.enqueue_indirect_dma source(%dma_start3A_152 : memref<2000000x64xf32, #tpu.memory_space<hbm>>) target(%dma_start3A_146 : memref<72x64xf32, #tpu.memory_space<vmem>>) offsets(%dma_start3A_149 : memref<72xi32, #tpu.memory_space<vmem>>) semaphore(%arg18 : memref<!tpu.dma_semaphore, #tpu.memory_space<semaphore_mem>>)
    %dma_wait3A_153 = arith.constant 1 : i32
    %dma_wait3A_154 = arith.constant 0 : i32
    %dma_wait3A_155 = arith.constant 0 : i32
    %dma_wait3A_156 = arith.constant 0 : i32
    %dma_wait3A_157 = tpu.memref_slice %arg7[%dma_wait3A_154, %dma_wait3A_155, %dma_wait3A_156] : memref<1x200x64xf32, #tpu.memory_space<vmem>> -> memref<1x128x64xf32, #tpu.memory_space<vmem>>
    %dma_wait3A_158 = tpu.memref_squeeze %dma_wait3A_157 : memref<1x128x64xf32, #tpu.memory_space<vmem>> -> memref<128x64xf32, #tpu.memory_space<vmem>>
    %dma_wait3A_159 = arith.constant 0 : i32
    %dma_wait3A_160 = tpu.memref_slice %arg5[%dma_wait3A_153, %dma_wait3A_159] : memref<128x200xi32, #tpu.memory_space<vmem>> -> memref<1x128xi32, #tpu.memory_space<vmem>>
    %dma_wait3A_161 = tpu.memref_squeeze %dma_wait3A_160 : memref<1x128xi32, #tpu.memory_space<vmem>> -> memref<128xi32, #tpu.memory_space<vmem>>
    %dma_wait3A_162 = arith.constant 0 : i32
    %dma_wait3A_163 = arith.constant 0 : i32
    %dma_wait3A_164 = tpu.memref_slice %arg2[%dma_wait3A_162, %dma_wait3A_163] : memref<2000000x64xf32, #tpu.memory_space<hbm>> -> memref<2000000x64xf32, #tpu.memory_space<hbm>>
    tpu.wait_indirect_dma semaphore(%arg15 : memref<!tpu.dma_semaphore, #tpu.memory_space<semaphore_mem>>) src(%dma_wait3A_164 : memref<2000000x64xf32, #tpu.memory_space<hbm>>) dst(%dma_wait3A_158 : memref<128x64xf32, #tpu.memory_space<vmem>>)
    %dma_wait3A_165 = arith.constant 1 : i32
    %dma_wait3A_166 = arith.constant 0 : i32
    %dma_wait3A_167 = arith.constant 128 : i32
    %dma_wait3A_168 = arith.constant 0 : i32
    %dma_wait3A_169 = tpu.memref_slice %arg7[%dma_wait3A_166, %dma_wait3A_167, %dma_wait3A_168] : memref<1x200x64xf32, #tpu.memory_space<vmem>> -> memref<1x72x64xf32, #tpu.memory_space<vmem>>
    %dma_wait3A_170 = tpu.memref_squeeze %dma_wait3A_169 : memref<1x72x64xf32, #tpu.memory_space<vmem>> -> memref<72x64xf32, #tpu.memory_space<vmem>>
    %dma_wait3A_171 = arith.constant 128 : i32
    %dma_wait3A_172 = tpu.memref_slice %arg5[%dma_wait3A_165, %dma_wait3A_171] : memref<128x200xi32, #tpu.memory_space<vmem>> -> memref<1x72xi32, #tpu.memory_space<vmem>>
    %dma_wait3A_173 = tpu.memref_squeeze %dma_wait3A_172 : memref<1x72xi32, #tpu.memory_space<vmem>> -> memref<72xi32, #tpu.memory_space<vmem>>
    %dma_wait3A_174 = arith.constant 0 : i32
    %dma_wait3A_175 = arith.constant 0 : i32
    %dma_wait3A_176 = tpu.memref_slice %arg2[%dma_wait3A_174, %dma_wait3A_175] : memref<2000000x64xf32, #tpu.memory_space<hbm>> -> memref<2000000x64xf32, #tpu.memory_space<hbm>>
    tpu.wait_indirect_dma semaphore(%arg15 : memref<!tpu.dma_semaphore, #tpu.memory_space<semaphore_mem>>) src(%dma_wait3A_176 : memref<2000000x64xf32, #tpu.memory_space<hbm>>) dst(%dma_wait3A_170 : memref<72x64xf32, #tpu.memory_space<vmem>>)
    %add3A_177 = arith.constant 1 : i32
    %add3A_178 = arith.addi %mul3A_2, %add3A_177 : i32
    %dma_start3A_179 = arith.constant 0 : i32
    %dma_start3A_180 = arith.constant 0 : i32
    %dma_start3A_181 = tpu.memref_slice %arg4[%add3A_178, %dma_start3A_179, %dma_start3A_180] : memref<4096x200x128xf32, #tpu.memory_space<hbm>> -> memref<1x200x64xf32, #tpu.memory_space<hbm>>
    %dma_start3A_182 = arith.constant 0 : i32
    %dma_start3A_183 = arith.constant 0 : i32
    %dma_start3A_184 = tpu.memref_slice %arg4[%add3A_178, %dma_start3A_182, %dma_start3A_183] : memref<4096x200x128xf32, #tpu.memory_space<hbm>> -> memref<1x200x64xf32, #tpu.memory_space<hbm>>
    tpu.enqueue_dma source(%arg7 : memref<1x200x64xf32, #tpu.memory_space<vmem>>) target(%dma_start3A_184 : memref<1x200x64xf32, #tpu.memory_space<hbm>>) target_semaphore(%arg23 : memref<!tpu.dma_semaphore, #tpu.memory_space<semaphore_mem>>)
    %dma_start3A_185 = arith.constant 5 : i32
    %dma_start3A_186 = arith.constant 0 : i32
    %dma_start3A_187 = arith.constant 0 : i32
    %dma_start3A_188 = arith.constant 0 : i32
    %dma_start3A_189 = tpu.memref_slice %arg11[%dma_start3A_186, %dma_start3A_187, %dma_start3A_188] : memref<1x200x64xf32, #tpu.memory_space<vmem>> -> memref<1x128x64xf32, #tpu.memory_space<vmem>>
    %dma_start3A_190 = tpu.memref_squeeze %dma_start3A_189 : memref<1x128x64xf32, #tpu.memory_space<vmem>> -> memref<128x64xf32, #tpu.memory_space<vmem>>
    %dma_start3A_191 = arith.constant 0 : i32
    %dma_start3A_192 = tpu.memref_slice %arg5[%dma_start3A_185, %dma_start3A_191] : memref<128x200xi32, #tpu.memory_space<vmem>> -> memref<1x128xi32, #tpu.memory_space<vmem>>
    %dma_start3A_193 = tpu.memref_squeeze %dma_start3A_192 : memref<1x128xi32, #tpu.memory_space<vmem>> -> memref<128xi32, #tpu.memory_space<vmem>>
    %dma_start3A_194 = arith.constant 0 : i32
    %dma_start3A_195 = arith.constant 0 : i32
    %dma_start3A_196 = tpu.memref_slice %arg2[%dma_start3A_194, %dma_start3A_195] : memref<2000000x64xf32, #tpu.memory_space<hbm>> -> memref<2000000x64xf32, #tpu.memory_space<hbm>>
    tpu.enqueue_indirect_dma source(%dma_start3A_196 : memref<2000000x64xf32, #tpu.memory_space<hbm>>) target(%dma_start3A_190 : memref<128x64xf32, #tpu.memory_space<vmem>>) offsets(%dma_start3A_193 : memref<128xi32, #tpu.memory_space<vmem>>) semaphore(%arg19 : memref<!tpu.dma_semaphore, #tpu.memory_space<semaphore_mem>>)
    %dma_start3A_197 = arith.constant 5 : i32
    %dma_start3A_198 = arith.constant 0 : i32
    %dma_start3A_199 = arith.constant 128 : i32
    %dma_start3A_200 = arith.constant 0 : i32
    %dma_start3A_201 = tpu.memref_slice %arg11[%dma_start3A_198, %dma_start3A_199, %dma_start3A_200] : memref<1x200x64xf32, #tpu.memory_space<vmem>> -> memref<1x72x64xf32, #tpu.memory_space<vmem>>
    %dma_start3A_202 = tpu.memref_squeeze %dma_start3A_201 : memref<1x72x64xf32, #tpu.memory_space<vmem>> -> memref<72x64xf32, #tpu.memory_space<vmem>>
    %dma_start3A_203 = arith.constant 128 : i32
    %dma_start3A_204 = tpu.memref_slice %arg5[%dma_start3A_197, %dma_start3A_203] : memref<128x200xi32, #tpu.memory_space<vmem>> -> memref<1x72xi32, #tpu.memory_space<vmem>>
    %dma_start3A_205 = tpu.memref_squeeze %dma_start3A_204 : memref<1x72xi32, #tpu.memory_space<vmem>> -> memref<72xi32, #tpu.memory_space<vmem>>
    %dma_start3A_206 = arith.constant 0 : i32
    %dma_start3A_207 = arith.constant 0 : i32
    %dma_start3A_208 = tpu.memref_slice %arg2[%dma_start3A_206, %dma_start3A_207] : memref<2000000x64xf32, #tpu.memory_space<hbm>> -> memref<2000000x64xf32, #tpu.memory_space<hbm>>
    tpu.enqueue_indirect_dma source(%dma_start3A_208 : memref<2000000x64xf32, #tpu.memory_space<hbm>>) target(%dma_start3A_202 : memref<72x64xf32, #tpu.memory_space<vmem>>) offsets(%dma_start3A_205 : memref<72xi32, #tpu.memory_space<vmem>>) semaphore(%arg19 : memref<!tpu.dma_semaphore, #tpu.memory_space<semaphore_mem>>)
    %dma_wait3A_209 = arith.constant 2 : i32
    %dma_wait3A_210 = arith.constant 0 : i32
    %dma_wait3A_211 = arith.constant 0 : i32
    %dma_wait3A_212 = arith.constant 0 : i32
    %dma_wait3A_213 = tpu.memref_slice %arg8[%dma_wait3A_210, %dma_wait3A_211, %dma_wait3A_212] : memref<1x200x64xf32, #tpu.memory_space<vmem>> -> memref<1x128x64xf32, #tpu.memory_space<vmem>>
    %dma_wait3A_214 = tpu.memref_squeeze %dma_wait3A_213 : memref<1x128x64xf32, #tpu.memory_space<vmem>> -> memref<128x64xf32, #tpu.memory_space<vmem>>
    %dma_wait3A_215 = arith.constant 0 : i32
    %dma_wait3A_216 = tpu.memref_slice %arg5[%dma_wait3A_209, %dma_wait3A_215] : memref<128x200xi32, #tpu.memory_space<vmem>> -> memref<1x128xi32, #tpu.memory_space<vmem>>
    %dma_wait3A_217 = tpu.memref_squeeze %dma_wait3A_216 : memref<1x128xi32, #tpu.memory_space<vmem>> -> memref<128xi32, #tpu.memory_space<vmem>>
    %dma_wait3A_218 = arith.constant 0 : i32
    %dma_wait3A_219 = arith.constant 0 : i32
    %dma_wait3A_220 = tpu.memref_slice %arg2[%dma_wait3A_218, %dma_wait3A_219] : memref<2000000x64xf32, #tpu.memory_space<hbm>> -> memref<2000000x64xf32, #tpu.memory_space<hbm>>
    tpu.wait_indirect_dma semaphore(%arg16 : memref<!tpu.dma_semaphore, #tpu.memory_space<semaphore_mem>>) src(%dma_wait3A_220 : memref<2000000x64xf32, #tpu.memory_space<hbm>>) dst(%dma_wait3A_214 : memref<128x64xf32, #tpu.memory_space<vmem>>)
    %dma_wait3A_221 = arith.constant 2 : i32
    %dma_wait3A_222 = arith.constant 0 : i32
    %dma_wait3A_223 = arith.constant 128 : i32
    %dma_wait3A_224 = arith.constant 0 : i32
    %dma_wait3A_225 = tpu.memref_slice %arg8[%dma_wait3A_222, %dma_wait3A_223, %dma_wait3A_224] : memref<1x200x64xf32, #tpu.memory_space<vmem>> -> memref<1x72x64xf32, #tpu.memory_space<vmem>>
    %dma_wait3A_226 = tpu.memref_squeeze %dma_wait3A_225 : memref<1x72x64xf32, #tpu.memory_space<vmem>> -> memref<72x64xf32, #tpu.memory_space<vmem>>
    %dma_wait3A_227 = arith.constant 128 : i32
    %dma_wait3A_228 = tpu.memref_slice %arg5[%dma_wait3A_221, %dma_wait3A_227] : memref<128x200xi32, #tpu.memory_space<vmem>> -> memref<1x72xi32, #tpu.memory_space<vmem>>
    %dma_wait3A_229 = tpu.memref_squeeze %dma_wait3A_228 : memref<1x72xi32, #tpu.memory_space<vmem>> -> memref<72xi32, #tpu.memory_space<vmem>>
    %dma_wait3A_230 = arith.constant 0 : i32
    %dma_wait3A_231 = arith.constant 0 : i32
    %dma_wait3A_232 = tpu.memref_slice %arg2[%dma_wait3A_230, %dma_wait3A_231] : memref<2000000x64xf32, #tpu.memory_space<hbm>> -> memref<2000000x64xf32, #tpu.memory_space<hbm>>
    tpu.wait_indirect_dma semaphore(%arg16 : memref<!tpu.dma_semaphore, #tpu.memory_space<semaphore_mem>>) src(%dma_wait3A_232 : memref<2000000x64xf32, #tpu.memory_space<hbm>>) dst(%dma_wait3A_226 : memref<72x64xf32, #tpu.memory_space<vmem>>)
    %add3A_233 = arith.constant 2 : i32
    %add3A_234 = arith.addi %mul3A_2, %add3A_233 : i32
    %dma_start3A_235 = arith.constant 0 : i32
    %dma_start3A_236 = arith.constant 0 : i32
    %dma_start3A_237 = tpu.memref_slice %arg4[%add3A_234, %dma_start3A_235, %dma_start3A_236] : memref<4096x200x128xf32, #tpu.memory_space<hbm>> -> memref<1x200x64xf32, #tpu.memory_space<hbm>>
    %dma_start3A_238 = arith.constant 0 : i32
    %dma_start3A_239 = arith.constant 0 : i32
    %dma_start3A_240 = tpu.memref_slice %arg4[%add3A_234, %dma_start3A_238, %dma_start3A_239] : memref<4096x200x128xf32, #tpu.memory_space<hbm>> -> memref<1x200x64xf32, #tpu.memory_space<hbm>>
    tpu.enqueue_dma source(%arg8 : memref<1x200x64xf32, #tpu.memory_space<vmem>>) target(%dma_start3A_240 : memref<1x200x64xf32, #tpu.memory_space<hbm>>) target_semaphore(%arg24 : memref<!tpu.dma_semaphore, #tpu.memory_space<semaphore_mem>>)
    %dma_start3A_241 = arith.constant 6 : i32
    %dma_start3A_242 = arith.constant 0 : i32
    %dma_start3A_243 = arith.constant 0 : i32
    %dma_start3A_244 = arith.constant 0 : i32
    %dma_start3A_245 = tpu.memref_slice %arg12[%dma_start3A_242, %dma_start3A_243, %dma_start3A_244] : memref<1x200x64xf32, #tpu.memory_space<vmem>> -> memref<1x128x64xf32, #tpu.memory_space<vmem>>
    %dma_start3A_246 = tpu.memref_squeeze %dma_start3A_245 : memref<1x128x64xf32, #tpu.memory_space<vmem>> -> memref<128x64xf32, #tpu.memory_space<vmem>>
    %dma_start3A_247 = arith.constant 0 : i32
    %dma_start3A_248 = tpu.memref_slice %arg5[%dma_start3A_241, %dma_start3A_247] : memref<128x200xi32, #tpu.memory_space<vmem>> -> memref<1x128xi32, #tpu.memory_space<vmem>>
    %dma_start3A_249 = tpu.memref_squeeze %dma_start3A_248 : memref<1x128xi32, #tpu.memory_space<vmem>> -> memref<128xi32, #tpu.memory_space<vmem>>
    %dma_start3A_250 = arith.constant 0 : i32
    %dma_start3A_251 = arith.constant 0 : i32
    %dma_start3A_252 = tpu.memref_slice %arg2[%dma_start3A_250, %dma_start3A_251] : memref<2000000x64xf32, #tpu.memory_space<hbm>> -> memref<2000000x64xf32, #tpu.memory_space<hbm>>
    tpu.enqueue_indirect_dma source(%dma_start3A_252 : memref<2000000x64xf32, #tpu.memory_space<hbm>>) target(%dma_start3A_246 : memref<128x64xf32, #tpu.memory_space<vmem>>) offsets(%dma_start3A_249 : memref<128xi32, #tpu.memory_space<vmem>>) semaphore(%arg20 : memref<!tpu.dma_semaphore, #tpu.memory_space<semaphore_mem>>)
    %dma_start3A_253 = arith.constant 6 : i32
    %dma_start3A_254 = arith.constant 0 : i32
    %dma_start3A_255 = arith.constant 128 : i32
    %dma_start3A_256 = arith.constant 0 : i32
    %dma_start3A_257 = tpu.memref_slice %arg12[%dma_start3A_254, %dma_start3A_255, %dma_start3A_256] : memref<1x200x64xf32, #tpu.memory_space<vmem>> -> memref<1x72x64xf32, #tpu.memory_space<vmem>>
    %dma_start3A_258 = tpu.memref_squeeze %dma_start3A_257 : memref<1x72x64xf32, #tpu.memory_space<vmem>> -> memref<72x64xf32, #tpu.memory_space<vmem>>
    %dma_start3A_259 = arith.constant 128 : i32
    %dma_start3A_260 = tpu.memref_slice %arg5[%dma_start3A_253, %dma_start3A_259] : memref<128x200xi32, #tpu.memory_space<vmem>> -> memref<1x72xi32, #tpu.memory_space<vmem>>
    %dma_start3A_261 = tpu.memref_squeeze %dma_start3A_260 : memref<1x72xi32, #tpu.memory_space<vmem>> -> memref<72xi32, #tpu.memory_space<vmem>>
    %dma_start3A_262 = arith.constant 0 : i32
    %dma_start3A_263 = arith.constant 0 : i32
    %dma_start3A_264 = tpu.memref_slice %arg2[%dma_start3A_262, %dma_start3A_263] : memref<2000000x64xf32, #tpu.memory_space<hbm>> -> memref<2000000x64xf32, #tpu.memory_space<hbm>>
    tpu.enqueue_indirect_dma source(%dma_start3A_264 : memref<2000000x64xf32, #tpu.memory_space<hbm>>) target(%dma_start3A_258 : memref<72x64xf32, #tpu.memory_space<vmem>>) offsets(%dma_start3A_261 : memref<72xi32, #tpu.memory_space<vmem>>) semaphore(%arg20 : memref<!tpu.dma_semaphore, #tpu.memory_space<semaphore_mem>>)
    %dma_wait3A_265 = arith.constant 3 : i32
    %dma_wait3A_266 = arith.constant 0 : i32
    %dma_wait3A_267 = arith.constant 0 : i32
    %dma_wait3A_268 = arith.constant 0 : i32
    %dma_wait3A_269 = tpu.memref_slice %arg9[%dma_wait3A_266, %dma_wait3A_267, %dma_wait3A_268] : memref<1x200x64xf32, #tpu.memory_space<vmem>> -> memref<1x128x64xf32, #tpu.memory_space<vmem>>
    %dma_wait3A_270 = tpu.memref_squeeze %dma_wait3A_269 : memref<1x128x64xf32, #tpu.memory_space<vmem>> -> memref<128x64xf32, #tpu.memory_space<vmem>>
    %dma_wait3A_271 = arith.constant 0 : i32
    %dma_wait3A_272 = tpu.memref_slice %arg5[%dma_wait3A_265, %dma_wait3A_271] : memref<128x200xi32, #tpu.memory_space<vmem>> -> memref<1x128xi32, #tpu.memory_space<vmem>>
    %dma_wait3A_273 = tpu.memref_squeeze %dma_wait3A_272 : memref<1x128xi32, #tpu.memory_space<vmem>> -> memref<128xi32, #tpu.memory_space<vmem>>
    %dma_wait3A_274 = arith.constant 0 : i32
    %dma_wait3A_275 = arith.constant 0 : i32
    %dma_wait3A_276 = tpu.memref_slice %arg2[%dma_wait3A_274, %dma_wait3A_275] : memref<2000000x64xf32, #tpu.memory_space<hbm>> -> memref<2000000x64xf32, #tpu.memory_space<hbm>>
    tpu.wait_indirect_dma semaphore(%arg17 : memref<!tpu.dma_semaphore, #tpu.memory_space<semaphore_mem>>) src(%dma_wait3A_276 : memref<2000000x64xf32, #tpu.memory_space<hbm>>) dst(%dma_wait3A_270 : memref<128x64xf32, #tpu.memory_space<vmem>>)
    %dma_wait3A_277 = arith.constant 3 : i32
    %dma_wait3A_278 = arith.constant 0 : i32
    %dma_wait3A_279 = arith.constant 128 : i32
    %dma_wait3A_280 = arith.constant 0 : i32
    %dma_wait3A_281 = tpu.memref_slice %arg9[%dma_wait3A_278, %dma_wait3A_279, %dma_wait3A_280] : memref<1x200x64xf32, #tpu.memory_space<vmem>> -> memref<1x72x64xf32, #tpu.memory_space<vmem>>
    %dma_wait3A_282 = tpu.memref_squeeze %dma_wait3A_281 : memref<1x72x64xf32, #tpu.memory_space<vmem>> -> memref<72x64xf32, #tpu.memory_space<vmem>>
    %dma_wait3A_283 = arith.constant 128 : i32
    %dma_wait3A_284 = tpu.memref_slice %arg5[%dma_wait3A_277, %dma_wait3A_283] : memref<128x200xi32, #tpu.memory_space<vmem>> -> memref<1x72xi32, #tpu.memory_space<vmem>>
    %dma_wait3A_285 = tpu.memref_squeeze %dma_wait3A_284 : memref<1x72xi32, #tpu.memory_space<vmem>> -> memref<72xi32, #tpu.memory_space<vmem>>
    %dma_wait3A_286 = arith.constant 0 : i32
    %dma_wait3A_287 = arith.constant 0 : i32
    %dma_wait3A_288 = tpu.memref_slice %arg2[%dma_wait3A_286, %dma_wait3A_287] : memref<2000000x64xf32, #tpu.memory_space<hbm>> -> memref<2000000x64xf32, #tpu.memory_space<hbm>>
    tpu.wait_indirect_dma semaphore(%arg17 : memref<!tpu.dma_semaphore, #tpu.memory_space<semaphore_mem>>) src(%dma_wait3A_288 : memref<2000000x64xf32, #tpu.memory_space<hbm>>) dst(%dma_wait3A_282 : memref<72x64xf32, #tpu.memory_space<vmem>>)
    %add3A_289 = arith.constant 3 : i32
    %add3A_290 = arith.addi %mul3A_2, %add3A_289 : i32
    %dma_start3A_291 = arith.constant 0 : i32
    %dma_start3A_292 = arith.constant 0 : i32
    %dma_start3A_293 = tpu.memref_slice %arg4[%add3A_290, %dma_start3A_291, %dma_start3A_292] : memref<4096x200x128xf32, #tpu.memory_space<hbm>> -> memref<1x200x64xf32, #tpu.memory_space<hbm>>
    %dma_start3A_294 = arith.constant 0 : i32
    %dma_start3A_295 = arith.constant 0 : i32
    %dma_start3A_296 = tpu.memref_slice %arg4[%add3A_290, %dma_start3A_294, %dma_start3A_295] : memref<4096x200x128xf32, #tpu.memory_space<hbm>> -> memref<1x200x64xf32, #tpu.memory_space<hbm>>
    tpu.enqueue_dma source(%arg9 : memref<1x200x64xf32, #tpu.memory_space<vmem>>) target(%dma_start3A_296 : memref<1x200x64xf32, #tpu.memory_space<hbm>>) target_semaphore(%arg25 : memref<!tpu.dma_semaphore, #tpu.memory_space<semaphore_mem>>)
    %dma_start3A_297 = arith.constant 7 : i32
    %dma_start3A_298 = arith.constant 0 : i32
    %dma_start3A_299 = arith.constant 0 : i32
    %dma_start3A_300 = arith.constant 0 : i32
    %dma_start3A_301 = tpu.memref_slice %arg13[%dma_start3A_298, %dma_start3A_299, %dma_start3A_300] : memref<1x200x64xf32, #tpu.memory_space<vmem>> -> memref<1x128x64xf32, #tpu.memory_space<vmem>>
    %dma_start3A_302 = tpu.memref_squeeze %dma_start3A_301 : memref<1x128x64xf32, #tpu.memory_space<vmem>> -> memref<128x64xf32, #tpu.memory_space<vmem>>
    %dma_start3A_303 = arith.constant 0 : i32
    %dma_start3A_304 = tpu.memref_slice %arg5[%dma_start3A_297, %dma_start3A_303] : memref<128x200xi32, #tpu.memory_space<vmem>> -> memref<1x128xi32, #tpu.memory_space<vmem>>
    %dma_start3A_305 = tpu.memref_squeeze %dma_start3A_304 : memref<1x128xi32, #tpu.memory_space<vmem>> -> memref<128xi32, #tpu.memory_space<vmem>>
    %dma_start3A_306 = arith.constant 0 : i32
    %dma_start3A_307 = arith.constant 0 : i32
    %dma_start3A_308 = tpu.memref_slice %arg2[%dma_start3A_306, %dma_start3A_307] : memref<2000000x64xf32, #tpu.memory_space<hbm>> -> memref<2000000x64xf32, #tpu.memory_space<hbm>>
    tpu.enqueue_indirect_dma source(%dma_start3A_308 : memref<2000000x64xf32, #tpu.memory_space<hbm>>) target(%dma_start3A_302 : memref<128x64xf32, #tpu.memory_space<vmem>>) offsets(%dma_start3A_305 : memref<128xi32, #tpu.memory_space<vmem>>) semaphore(%arg21 : memref<!tpu.dma_semaphore, #tpu.memory_space<semaphore_mem>>)
    %dma_start3A_309 = arith.constant 7 : i32
    %dma_start3A_310 = arith.constant 0 : i32
    %dma_start3A_311 = arith.constant 128 : i32
    %dma_start3A_312 = arith.constant 0 : i32
    %dma_start3A_313 = tpu.memref_slice %arg13[%dma_start3A_310, %dma_start3A_311, %dma_start3A_312] : memref<1x200x64xf32, #tpu.memory_space<vmem>> -> memref<1x72x64xf32, #tpu.memory_space<vmem>>
    %dma_start3A_314 = tpu.memref_squeeze %dma_start3A_313 : memref<1x72x64xf32, #tpu.memory_space<vmem>> -> memref<72x64xf32, #tpu.memory_space<vmem>>
    %dma_start3A_315 = arith.constant 128 : i32
    %dma_start3A_316 = tpu.memref_slice %arg5[%dma_start3A_309, %dma_start3A_315] : memref<128x200xi32, #tpu.memory_space<vmem>> -> memref<1x72xi32, #tpu.memory_space<vmem>>
    %dma_start3A_317 = tpu.memref_squeeze %dma_start3A_316 : memref<1x72xi32, #tpu.memory_space<vmem>> -> memref<72xi32, #tpu.memory_space<vmem>>
    %dma_start3A_318 = arith.constant 0 : i32
    %dma_start3A_319 = arith.constant 0 : i32
    %dma_start3A_320 = tpu.memref_slice %arg2[%dma_start3A_318, %dma_start3A_319] : memref<2000000x64xf32, #tpu.memory_space<hbm>> -> memref<2000000x64xf32, #tpu.memory_space<hbm>>
    tpu.enqueue_indirect_dma source(%dma_start3A_320 : memref<2000000x64xf32, #tpu.memory_space<hbm>>) target(%dma_start3A_314 : memref<72x64xf32, #tpu.memory_space<vmem>>) offsets(%dma_start3A_317 : memref<72xi32, #tpu.memory_space<vmem>>) semaphore(%arg21 : memref<!tpu.dma_semaphore, #tpu.memory_space<semaphore_mem>>)
    %scan3A = arith.constant 0 : i32
    %scan3A_321 = arith.constant 0 : i32
    %scan3A_322 = arith.constant 15 : i32
    %scan3A_323 = arith.addi %scan3A_321, %scan3A_322 : i32
    %scan3A_324 = arith.constant 1 : i32
    scf.for %scan3A_518 = %scan3A_321 to %scan3A_323 step %scan3A_324  : i32 {
      %mul3A_519 = arith.constant 8 : i32
      %mul3A_520 = arith.muli %scan3A_518, %mul3A_519 : i32
      %add3A_521 = arith.constant 4 : i32
      %add3A_522 = arith.addi %add3A_521, %mul3A_520 : i32
      %add3A_523 = arith.constant 0 : i32
      %add3A_524 = arith.addi %add3A_522, %add3A_523 : i32
      %dma_wait3A_525 = arith.constant 0 : i32
      %dma_wait3A_526 = arith.constant 0 : i32
      %dma_wait3A_527 = arith.constant 0 : i32
      %dma_wait3A_528 = tpu.memref_slice %arg10[%dma_wait3A_525, %dma_wait3A_526, %dma_wait3A_527] : memref<1x200x64xf32, #tpu.memory_space<vmem>> -> memref<1x128x64xf32, #tpu.memory_space<vmem>>
      %dma_wait3A_529 = tpu.memref_squeeze %dma_wait3A_528 : memref<1x128x64xf32, #tpu.memory_space<vmem>> -> memref<128x64xf32, #tpu.memory_space<vmem>>
      %dma_wait3A_530 = arith.constant 0 : i32
      %dma_wait3A_531 = tpu.memref_slice %arg5[%add3A_524, %dma_wait3A_530] : memref<128x200xi32, #tpu.memory_space<vmem>> -> memref<1x128xi32, #tpu.memory_space<vmem>>
      %dma_wait3A_532 = tpu.memref_squeeze %dma_wait3A_531 : memref<1x128xi32, #tpu.memory_space<vmem>> -> memref<128xi32, #tpu.memory_space<vmem>>
      %dma_wait3A_533 = arith.constant 0 : i32
      %dma_wait3A_534 = arith.constant 0 : i32
      %dma_wait3A_535 = tpu.memref_slice %arg2[%dma_wait3A_533, %dma_wait3A_534] : memref<2000000x64xf32, #tpu.memory_space<hbm>> -> memref<2000000x64xf32, #tpu.memory_space<hbm>>
      tpu.wait_indirect_dma semaphore(%arg18 : memref<!tpu.dma_semaphore, #tpu.memory_space<semaphore_mem>>) src(%dma_wait3A_535 : memref<2000000x64xf32, #tpu.memory_space<hbm>>) dst(%dma_wait3A_529 : memref<128x64xf32, #tpu.memory_space<vmem>>)
      %dma_wait3A_536 = arith.constant 0 : i32
      %dma_wait3A_537 = arith.constant 128 : i32
      %dma_wait3A_538 = arith.constant 0 : i32
      %dma_wait3A_539 = tpu.memref_slice %arg10[%dma_wait3A_536, %dma_wait3A_537, %dma_wait3A_538] : memref<1x200x64xf32, #tpu.memory_space<vmem>> -> memref<1x72x64xf32, #tpu.memory_space<vmem>>
      %dma_wait3A_540 = tpu.memref_squeeze %dma_wait3A_539 : memref<1x72x64xf32, #tpu.memory_space<vmem>> -> memref<72x64xf32, #tpu.memory_space<vmem>>
      %dma_wait3A_541 = arith.constant 128 : i32
      %dma_wait3A_542 = tpu.memref_slice %arg5[%add3A_524, %dma_wait3A_541] : memref<128x200xi32, #tpu.memory_space<vmem>> -> memref<1x72xi32, #tpu.memory_space<vmem>>
      %dma_wait3A_543 = tpu.memref_squeeze %dma_wait3A_542 : memref<1x72xi32, #tpu.memory_space<vmem>> -> memref<72xi32, #tpu.memory_space<vmem>>
      %dma_wait3A_544 = arith.constant 0 : i32
      %dma_wait3A_545 = arith.constant 0 : i32
      %dma_wait3A_546 = tpu.memref_slice %arg2[%dma_wait3A_544, %dma_wait3A_545] : memref<2000000x64xf32, #tpu.memory_space<hbm>> -> memref<2000000x64xf32, #tpu.memory_space<hbm>>
      tpu.wait_indirect_dma semaphore(%arg18 : memref<!tpu.dma_semaphore, #tpu.memory_space<semaphore_mem>>) src(%dma_wait3A_546 : memref<2000000x64xf32, #tpu.memory_space<hbm>>) dst(%dma_wait3A_540 : memref<72x64xf32, #tpu.memory_space<vmem>>)
      %add3A_547 = arith.addi %mul3A_2, %add3A_524 : i32
      %dma_start3A_548 = arith.constant 0 : i32
      %dma_start3A_549 = arith.constant 0 : i32
      %dma_start3A_550 = tpu.memref_slice %arg4[%add3A_547, %dma_start3A_548, %dma_start3A_549] : memref<4096x200x128xf32, #tpu.memory_space<hbm>> -> memref<1x200x64xf32, #tpu.memory_space<hbm>>
      %dma_start3A_551 = arith.constant 0 : i32
      %dma_start3A_552 = arith.constant 0 : i32
      %dma_start3A_553 = tpu.memref_slice %arg4[%add3A_547, %dma_start3A_551, %dma_start3A_552] : memref<4096x200x128xf32, #tpu.memory_space<hbm>> -> memref<1x200x64xf32, #tpu.memory_space<hbm>>
      tpu.enqueue_dma source(%arg10 : memref<1x200x64xf32, #tpu.memory_space<vmem>>) target(%dma_start3A_553 : memref<1x200x64xf32, #tpu.memory_space<hbm>>) target_semaphore(%arg26 : memref<!tpu.dma_semaphore, #tpu.memory_space<semaphore_mem>>)
      %add3A_554 = arith.constant 4 : i32
      %add3A_555 = arith.addi %add3A_524, %add3A_554 : i32
      %sub3A = arith.constant 8 : i32
      %sub3A_556 = arith.subi %add3A_555, %sub3A : i32
      %add3A_557 = arith.addi %mul3A_2, %sub3A_556 : i32
      %dma_wait3A_558 = arith.constant 0 : i32
      %dma_wait3A_559 = arith.constant 0 : i32
      %dma_wait3A_560 = tpu.memref_slice %arg4[%add3A_557, %dma_wait3A_558, %dma_wait3A_559] : memref<4096x200x128xf32, #tpu.memory_space<hbm>> -> memref<1x200x64xf32, #tpu.memory_space<hbm>>
      %dma_wait3A_561 = arith.constant 0 : i32
      %dma_wait3A_562 = arith.constant 0 : i32
      %dma_wait3A_563 = tpu.memref_slice %arg4[%add3A_557, %dma_wait3A_561, %dma_wait3A_562] : memref<4096x200x128xf32, #tpu.memory_space<hbm>> -> memref<1x200x64xf32, #tpu.memory_space<hbm>>
      tpu.wait_dma2 semaphore(%arg22 : memref<!tpu.dma_semaphore, #tpu.memory_space<semaphore_mem>>) src(%arg6 : memref<1x200x64xf32, #tpu.memory_space<vmem>>) dst(%dma_wait3A_563 : memref<1x200x64xf32, #tpu.memory_space<hbm>>)
      %dma_start3A_564 = arith.constant 0 : i32
      %dma_start3A_565 = arith.constant 0 : i32
      %dma_start3A_566 = arith.constant 0 : i32
      %dma_start3A_567 = tpu.memref_slice %arg6[%dma_start3A_564, %dma_start3A_565, %dma_start3A_566] : memref<1x200x64xf32, #tpu.memory_space<vmem>> -> memref<1x128x64xf32, #tpu.memory_space<vmem>>
      %dma_start3A_568 = tpu.memref_squeeze %dma_start3A_567 : memref<1x128x64xf32, #tpu.memory_space<vmem>> -> memref<128x64xf32, #tpu.memory_space<vmem>>
      %dma_start3A_569 = arith.constant 0 : i32
      %dma_start3A_570 = tpu.memref_slice %arg5[%add3A_555, %dma_start3A_569] : memref<128x200xi32, #tpu.memory_space<vmem>> -> memref<1x128xi32, #tpu.memory_space<vmem>>
      %dma_start3A_571 = tpu.memref_squeeze %dma_start3A_570 : memref<1x128xi32, #tpu.memory_space<vmem>> -> memref<128xi32, #tpu.memory_space<vmem>>
      %dma_start3A_572 = arith.constant 0 : i32
      %dma_start3A_573 = arith.constant 0 : i32
      %dma_start3A_574 = tpu.memref_slice %arg2[%dma_start3A_572, %dma_start3A_573] : memref<2000000x64xf32, #tpu.memory_space<hbm>> -> memref<2000000x64xf32, #tpu.memory_space<hbm>>
      tpu.enqueue_indirect_dma source(%dma_start3A_574 : memref<2000000x64xf32, #tpu.memory_space<hbm>>) target(%dma_start3A_568 : memref<128x64xf32, #tpu.memory_space<vmem>>) offsets(%dma_start3A_571 : memref<128xi32, #tpu.memory_space<vmem>>) semaphore(%arg14 : memref<!tpu.dma_semaphore, #tpu.memory_space<semaphore_mem>>)
      %dma_start3A_575 = arith.constant 0 : i32
      %dma_start3A_576 = arith.constant 128 : i32
      %dma_start3A_577 = arith.constant 0 : i32
      %dma_start3A_578 = tpu.memref_slice %arg6[%dma_start3A_575, %dma_start3A_576, %dma_start3A_577] : memref<1x200x64xf32, #tpu.memory_space<vmem>> -> memref<1x72x64xf32, #tpu.memory_space<vmem>>
      %dma_start3A_579 = tpu.memref_squeeze %dma_start3A_578 : memref<1x72x64xf32, #tpu.memory_space<vmem>> -> memref<72x64xf32, #tpu.memory_space<vmem>>
      %dma_start3A_580 = arith.constant 128 : i32
      %dma_start3A_581 = tpu.memref_slice %arg5[%add3A_555, %dma_start3A_580] : memref<128x200xi32, #tpu.memory_space<vmem>> -> memref<1x72xi32, #tpu.memory_space<vmem>>
      %dma_start3A_582 = tpu.memref_squeeze %dma_start3A_581 : memref<1x72xi32, #tpu.memory_space<vmem>> -> memref<72xi32, #tpu.memory_space<vmem>>
      %dma_start3A_583 = arith.constant 0 : i32
      %dma_start3A_584 = arith.constant 0 : i32
      %dma_start3A_585 = tpu.memref_slice %arg2[%dma_start3A_583, %dma_start3A_584] : memref<2000000x64xf32, #tpu.memory_space<hbm>> -> memref<2000000x64xf32, #tpu.memory_space<hbm>>
      tpu.enqueue_indirect_dma source(%dma_start3A_585 : memref<2000000x64xf32, #tpu.memory_space<hbm>>) target(%dma_start3A_579 : memref<72x64xf32, #tpu.memory_space<vmem>>) offsets(%dma_start3A_582 : memref<72xi32, #tpu.memory_space<vmem>>) semaphore(%arg14 : memref<!tpu.dma_semaphore, #tpu.memory_space<semaphore_mem>>)
      %mul3A_586 = arith.constant 8 : i32
      %mul3A_587 = arith.muli %scan3A_518, %mul3A_586 : i32
      %add3A_588 = arith.constant 4 : i32
      %add3A_589 = arith.addi %add3A_588, %mul3A_587 : i32
      %add3A_590 = arith.constant 1 : i32
      %add3A_591 = arith.addi %add3A_589, %add3A_590 : i32
      %dma_wait3A_592 = arith.constant 0 : i32
      %dma_wait3A_593 = arith.constant 0 : i32
      %dma_wait3A_594 = arith.constant 0 : i32
      %dma_wait3A_595 = tpu.memref_slice %arg11[%dma_wait3A_592, %dma_wait3A_593, %dma_wait3A_594] : memref<1x200x64xf32, #tpu.memory_space<vmem>> -> memref<1x128x64xf32, #tpu.memory_space<vmem>>
      %dma_wait3A_596 = tpu.memref_squeeze %dma_wait3A_595 : memref<1x128x64xf32, #tpu.memory_space<vmem>> -> memref<128x64xf32, #tpu.memory_space<vmem>>
      %dma_wait3A_597 = arith.constant 0 : i32
      %dma_wait3A_598 = tpu.memref_slice %arg5[%add3A_591, %dma_wait3A_597] : memref<128x200xi32, #tpu.memory_space<vmem>> -> memref<1x128xi32, #tpu.memory_space<vmem>>
      %dma_wait3A_599 = tpu.memref_squeeze %dma_wait3A_598 : memref<1x128xi32, #tpu.memory_space<vmem>> -> memref<128xi32, #tpu.memory_space<vmem>>
      %dma_wait3A_600 = arith.constant 0 : i32
      %dma_wait3A_601 = arith.constant 0 : i32
      %dma_wait3A_602 = tpu.memref_slice %arg2[%dma_wait3A_600, %dma_wait3A_601] : memref<2000000x64xf32, #tpu.memory_space<hbm>> -> memref<2000000x64xf32, #tpu.memory_space<hbm>>
      tpu.wait_indirect_dma semaphore(%arg19 : memref<!tpu.dma_semaphore, #tpu.memory_space<semaphore_mem>>) src(%dma_wait3A_602 : memref<2000000x64xf32, #tpu.memory_space<hbm>>) dst(%dma_wait3A_596 : memref<128x64xf32, #tpu.memory_space<vmem>>)
      %dma_wait3A_603 = arith.constant 0 : i32
      %dma_wait3A_604 = arith.constant 128 : i32
      %dma_wait3A_605 = arith.constant 0 : i32
      %dma_wait3A_606 = tpu.memref_slice %arg11[%dma_wait3A_603, %dma_wait3A_604, %dma_wait3A_605] : memref<1x200x64xf32, #tpu.memory_space<vmem>> -> memref<1x72x64xf32, #tpu.memory_space<vmem>>
      %dma_wait3A_607 = tpu.memref_squeeze %dma_wait3A_606 : memref<1x72x64xf32, #tpu.memory_space<vmem>> -> memref<72x64xf32, #tpu.memory_space<vmem>>
      %dma_wait3A_608 = arith.constant 128 : i32
      %dma_wait3A_609 = tpu.memref_slice %arg5[%add3A_591, %dma_wait3A_608] : memref<128x200xi32, #tpu.memory_space<vmem>> -> memref<1x72xi32, #tpu.memory_space<vmem>>
      %dma_wait3A_610 = tpu.memref_squeeze %dma_wait3A_609 : memref<1x72xi32, #tpu.memory_space<vmem>> -> memref<72xi32, #tpu.memory_space<vmem>>
      %dma_wait3A_611 = arith.constant 0 : i32
      %dma_wait3A_612 = arith.constant 0 : i32
      %dma_wait3A_613 = tpu.memref_slice %arg2[%dma_wait3A_611, %dma_wait3A_612] : memref<2000000x64xf32, #tpu.memory_space<hbm>> -> memref<2000000x64xf32, #tpu.memory_space<hbm>>
      tpu.wait_indirect_dma semaphore(%arg19 : memref<!tpu.dma_semaphore, #tpu.memory_space<semaphore_mem>>) src(%dma_wait3A_613 : memref<2000000x64xf32, #tpu.memory_space<hbm>>) dst(%dma_wait3A_607 : memref<72x64xf32, #tpu.memory_space<vmem>>)
      %add3A_614 = arith.addi %mul3A_2, %add3A_591 : i32
      %dma_start3A_615 = arith.constant 0 : i32
      %dma_start3A_616 = arith.constant 0 : i32
      %dma_start3A_617 = tpu.memref_slice %arg4[%add3A_614, %dma_start3A_615, %dma_start3A_616] : memref<4096x200x128xf32, #tpu.memory_space<hbm>> -> memref<1x200x64xf32, #tpu.memory_space<hbm>>
      %dma_start3A_618 = arith.constant 0 : i32
      %dma_start3A_619 = arith.constant 0 : i32
      %dma_start3A_620 = tpu.memref_slice %arg4[%add3A_614, %dma_start3A_618, %dma_start3A_619] : memref<4096x200x128xf32, #tpu.memory_space<hbm>> -> memref<1x200x64xf32, #tpu.memory_space<hbm>>
      tpu.enqueue_dma source(%arg11 : memref<1x200x64xf32, #tpu.memory_space<vmem>>) target(%dma_start3A_620 : memref<1x200x64xf32, #tpu.memory_space<hbm>>) target_semaphore(%arg27 : memref<!tpu.dma_semaphore, #tpu.memory_space<semaphore_mem>>)
      %add3A_621 = arith.constant 4 : i32
      %add3A_622 = arith.addi %add3A_591, %add3A_621 : i32
      %sub3A_623 = arith.constant 8 : i32
      %sub3A_624 = arith.subi %add3A_622, %sub3A_623 : i32
      %add3A_625 = arith.addi %mul3A_2, %sub3A_624 : i32
      %dma_wait3A_626 = arith.constant 0 : i32
      %dma_wait3A_627 = arith.constant 0 : i32
      %dma_wait3A_628 = tpu.memref_slice %arg4[%add3A_625, %dma_wait3A_626, %dma_wait3A_627] : memref<4096x200x128xf32, #tpu.memory_space<hbm>> -> memref<1x200x64xf32, #tpu.memory_space<hbm>>
      %dma_wait3A_629 = arith.constant 0 : i32
      %dma_wait3A_630 = arith.constant 0 : i32
      %dma_wait3A_631 = tpu.memref_slice %arg4[%add3A_625, %dma_wait3A_629, %dma_wait3A_630] : memref<4096x200x128xf32, #tpu.memory_space<hbm>> -> memref<1x200x64xf32, #tpu.memory_space<hbm>>
      tpu.wait_dma2 semaphore(%arg23 : memref<!tpu.dma_semaphore, #tpu.memory_space<semaphore_mem>>) src(%arg7 : memref<1x200x64xf32, #tpu.memory_space<vmem>>) dst(%dma_wait3A_631 : memref<1x200x64xf32, #tpu.memory_space<hbm>>)
      %dma_start3A_632 = arith.constant 0 : i32
      %dma_start3A_633 = arith.constant 0 : i32
      %dma_start3A_634 = arith.constant 0 : i32
      %dma_start3A_635 = tpu.memref_slice %arg7[%dma_start3A_632, %dma_start3A_633, %dma_start3A_634] : memref<1x200x64xf32, #tpu.memory_space<vmem>> -> memref<1x128x64xf32, #tpu.memory_space<vmem>>
      %dma_start3A_636 = tpu.memref_squeeze %dma_start3A_635 : memref<1x128x64xf32, #tpu.memory_space<vmem>> -> memref<128x64xf32, #tpu.memory_space<vmem>>
      %dma_start3A_637 = arith.constant 0 : i32
      %dma_start3A_638 = tpu.memref_slice %arg5[%add3A_622, %dma_start3A_637] : memref<128x200xi32, #tpu.memory_space<vmem>> -> memref<1x128xi32, #tpu.memory_space<vmem>>
      %dma_start3A_639 = tpu.memref_squeeze %dma_start3A_638 : memref<1x128xi32, #tpu.memory_space<vmem>> -> memref<128xi32, #tpu.memory_space<vmem>>
      %dma_start3A_640 = arith.constant 0 : i32
      %dma_start3A_641 = arith.constant 0 : i32
      %dma_start3A_642 = tpu.memref_slice %arg2[%dma_start3A_640, %dma_start3A_641] : memref<2000000x64xf32, #tpu.memory_space<hbm>> -> memref<2000000x64xf32, #tpu.memory_space<hbm>>
      tpu.enqueue_indirect_dma source(%dma_start3A_642 : memref<2000000x64xf32, #tpu.memory_space<hbm>>) target(%dma_start3A_636 : memref<128x64xf32, #tpu.memory_space<vmem>>) offsets(%dma_start3A_639 : memref<128xi32, #tpu.memory_space<vmem>>) semaphore(%arg15 : memref<!tpu.dma_semaphore, #tpu.memory_space<semaphore_mem>>)
      %dma_start3A_643 = arith.constant 0 : i32
      %dma_start3A_644 = arith.constant 128 : i32
      %dma_start3A_645 = arith.constant 0 : i32
      %dma_start3A_646 = tpu.memref_slice %arg7[%dma_start3A_643, %dma_start3A_644, %dma_start3A_645] : memref<1x200x64xf32, #tpu.memory_space<vmem>> -> memref<1x72x64xf32, #tpu.memory_space<vmem>>
      %dma_start3A_647 = tpu.memref_squeeze %dma_start3A_646 : memref<1x72x64xf32, #tpu.memory_space<vmem>> -> memref<72x64xf32, #tpu.memory_space<vmem>>
      %dma_start3A_648 = arith.constant 128 : i32
      %dma_start3A_649 = tpu.memref_slice %arg5[%add3A_622, %dma_start3A_648] : memref<128x200xi32, #tpu.memory_space<vmem>> -> memref<1x72xi32, #tpu.memory_space<vmem>>
      %dma_start3A_650 = tpu.memref_squeeze %dma_start3A_649 : memref<1x72xi32, #tpu.memory_space<vmem>> -> memref<72xi32, #tpu.memory_space<vmem>>
      %dma_start3A_651 = arith.constant 0 : i32
      %dma_start3A_652 = arith.constant 0 : i32
      %dma_start3A_653 = tpu.memref_slice %arg2[%dma_start3A_651, %dma_start3A_652] : memref<2000000x64xf32, #tpu.memory_space<hbm>> -> memref<2000000x64xf32, #tpu.memory_space<hbm>>
      tpu.enqueue_indirect_dma source(%dma_start3A_653 : memref<2000000x64xf32, #tpu.memory_space<hbm>>) target(%dma_start3A_647 : memref<72x64xf32, #tpu.memory_space<vmem>>) offsets(%dma_start3A_650 : memref<72xi32, #tpu.memory_space<vmem>>) semaphore(%arg15 : memref<!tpu.dma_semaphore, #tpu.memory_space<semaphore_mem>>)
      %mul3A_654 = arith.constant 8 : i32
      %mul3A_655 = arith.muli %scan3A_518, %mul3A_654 : i32
      %add3A_656 = arith.constant 4 : i32
      %add3A_657 = arith.addi %add3A_656, %mul3A_655 : i32
      %add3A_658 = arith.constant 2 : i32
      %add3A_659 = arith.addi %add3A_657, %add3A_658 : i32
      %dma_wait3A_660 = arith.constant 0 : i32
      %dma_wait3A_661 = arith.constant 0 : i32
      %dma_wait3A_662 = arith.constant 0 : i32
      %dma_wait3A_663 = tpu.memref_slice %arg12[%dma_wait3A_660, %dma_wait3A_661, %dma_wait3A_662] : memref<1x200x64xf32, #tpu.memory_space<vmem>> -> memref<1x128x64xf32, #tpu.memory_space<vmem>>
      %dma_wait3A_664 = tpu.memref_squeeze %dma_wait3A_663 : memref<1x128x64xf32, #tpu.memory_space<vmem>> -> memref<128x64xf32, #tpu.memory_space<vmem>>
      %dma_wait3A_665 = arith.constant 0 : i32
      %dma_wait3A_666 = tpu.memref_slice %arg5[%add3A_659, %dma_wait3A_665] : memref<128x200xi32, #tpu.memory_space<vmem>> -> memref<1x128xi32, #tpu.memory_space<vmem>>
      %dma_wait3A_667 = tpu.memref_squeeze %dma_wait3A_666 : memref<1x128xi32, #tpu.memory_space<vmem>> -> memref<128xi32, #tpu.memory_space<vmem>>
      %dma_wait3A_668 = arith.constant 0 : i32
      %dma_wait3A_669 = arith.constant 0 : i32
      %dma_wait3A_670 = tpu.memref_slice %arg2[%dma_wait3A_668, %dma_wait3A_669] : memref<2000000x64xf32, #tpu.memory_space<hbm>> -> memref<2000000x64xf32, #tpu.memory_space<hbm>>
      tpu.wait_indirect_dma semaphore(%arg20 : memref<!tpu.dma_semaphore, #tpu.memory_space<semaphore_mem>>) src(%dma_wait3A_670 : memref<2000000x64xf32, #tpu.memory_space<hbm>>) dst(%dma_wait3A_664 : memref<128x64xf32, #tpu.memory_space<vmem>>)
      %dma_wait3A_671 = arith.constant 0 : i32
      %dma_wait3A_672 = arith.constant 128 : i32
      %dma_wait3A_673 = arith.constant 0 : i32
      %dma_wait3A_674 = tpu.memref_slice %arg12[%dma_wait3A_671, %dma_wait3A_672, %dma_wait3A_673] : memref<1x200x64xf32, #tpu.memory_space<vmem>> -> memref<1x72x64xf32, #tpu.memory_space<vmem>>
      %dma_wait3A_675 = tpu.memref_squeeze %dma_wait3A_674 : memref<1x72x64xf32, #tpu.memory_space<vmem>> -> memref<72x64xf32, #tpu.memory_space<vmem>>
      %dma_wait3A_676 = arith.constant 128 : i32
      %dma_wait3A_677 = tpu.memref_slice %arg5[%add3A_659, %dma_wait3A_676] : memref<128x200xi32, #tpu.memory_space<vmem>> -> memref<1x72xi32, #tpu.memory_space<vmem>>
      %dma_wait3A_678 = tpu.memref_squeeze %dma_wait3A_677 : memref<1x72xi32, #tpu.memory_space<vmem>> -> memref<72xi32, #tpu.memory_space<vmem>>
      %dma_wait3A_679 = arith.constant 0 : i32
      %dma_wait3A_680 = arith.constant 0 : i32
      %dma_wait3A_681 = tpu.memref_slice %arg2[%dma_wait3A_679, %dma_wait3A_680] : memref<2000000x64xf32, #tpu.memory_space<hbm>> -> memref<2000000x64xf32, #tpu.memory_space<hbm>>
      tpu.wait_indirect_dma semaphore(%arg20 : memref<!tpu.dma_semaphore, #tpu.memory_space<semaphore_mem>>) src(%dma_wait3A_681 : memref<2000000x64xf32, #tpu.memory_space<hbm>>) dst(%dma_wait3A_675 : memref<72x64xf32, #tpu.memory_space<vmem>>)
      %add3A_682 = arith.addi %mul3A_2, %add3A_659 : i32
      %dma_start3A_683 = arith.constant 0 : i32
      %dma_start3A_684 = arith.constant 0 : i32
      %dma_start3A_685 = tpu.memref_slice %arg4[%add3A_682, %dma_start3A_683, %dma_start3A_684] : memref<4096x200x128xf32, #tpu.memory_space<hbm>> -> memref<1x200x64xf32, #tpu.memory_space<hbm>>
      %dma_start3A_686 = arith.constant 0 : i32
      %dma_start3A_687 = arith.constant 0 : i32
      %dma_start3A_688 = tpu.memref_slice %arg4[%add3A_682, %dma_start3A_686, %dma_start3A_687] : memref<4096x200x128xf32, #tpu.memory_space<hbm>> -> memref<1x200x64xf32, #tpu.memory_space<hbm>>
      tpu.enqueue_dma source(%arg12 : memref<1x200x64xf32, #tpu.memory_space<vmem>>) target(%dma_start3A_688 : memref<1x200x64xf32, #tpu.memory_space<hbm>>) target_semaphore(%arg28 : memref<!tpu.dma_semaphore, #tpu.memory_space<semaphore_mem>>)
      %add3A_689 = arith.constant 4 : i32
      %add3A_690 = arith.addi %add3A_659, %add3A_689 : i32
      %sub3A_691 = arith.constant 8 : i32
      %sub3A_692 = arith.subi %add3A_690, %sub3A_691 : i32
      %add3A_693 = arith.addi %mul3A_2, %sub3A_692 : i32
      %dma_wait3A_694 = arith.constant 0 : i32
      %dma_wait3A_695 = arith.constant 0 : i32
      %dma_wait3A_696 = tpu.memref_slice %arg4[%add3A_693, %dma_wait3A_694, %dma_wait3A_695] : memref<4096x200x128xf32, #tpu.memory_space<hbm>> -> memref<1x200x64xf32, #tpu.memory_space<hbm>>
      %dma_wait3A_697 = arith.constant 0 : i32
      %dma_wait3A_698 = arith.constant 0 : i32
      %dma_wait3A_699 = tpu.memref_slice %arg4[%add3A_693, %dma_wait3A_697, %dma_wait3A_698] : memref<4096x200x128xf32, #tpu.memory_space<hbm>> -> memref<1x200x64xf32, #tpu.memory_space<hbm>>
      tpu.wait_dma2 semaphore(%arg24 : memref<!tpu.dma_semaphore, #tpu.memory_space<semaphore_mem>>) src(%arg8 : memref<1x200x64xf32, #tpu.memory_space<vmem>>) dst(%dma_wait3A_699 : memref<1x200x64xf32, #tpu.memory_space<hbm>>)
      %dma_start3A_700 = arith.constant 0 : i32
      %dma_start3A_701 = arith.constant 0 : i32
      %dma_start3A_702 = arith.constant 0 : i32
      %dma_start3A_703 = tpu.memref_slice %arg8[%dma_start3A_700, %dma_start3A_701, %dma_start3A_702] : memref<1x200x64xf32, #tpu.memory_space<vmem>> -> memref<1x128x64xf32, #tpu.memory_space<vmem>>
      %dma_start3A_704 = tpu.memref_squeeze %dma_start3A_703 : memref<1x128x64xf32, #tpu.memory_space<vmem>> -> memref<128x64xf32, #tpu.memory_space<vmem>>
      %dma_start3A_705 = arith.constant 0 : i32
      %dma_start3A_706 = tpu.memref_slice %arg5[%add3A_690, %dma_start3A_705] : memref<128x200xi32, #tpu.memory_space<vmem>> -> memref<1x128xi32, #tpu.memory_space<vmem>>
      %dma_start3A_707 = tpu.memref_squeeze %dma_start3A_706 : memref<1x128xi32, #tpu.memory_space<vmem>> -> memref<128xi32, #tpu.memory_space<vmem>>
      %dma_start3A_708 = arith.constant 0 : i32
      %dma_start3A_709 = arith.constant 0 : i32
      %dma_start3A_710 = tpu.memref_slice %arg2[%dma_start3A_708, %dma_start3A_709] : memref<2000000x64xf32, #tpu.memory_space<hbm>> -> memref<2000000x64xf32, #tpu.memory_space<hbm>>
      tpu.enqueue_indirect_dma source(%dma_start3A_710 : memref<2000000x64xf32, #tpu.memory_space<hbm>>) target(%dma_start3A_704 : memref<128x64xf32, #tpu.memory_space<vmem>>) offsets(%dma_start3A_707 : memref<128xi32, #tpu.memory_space<vmem>>) semaphore(%arg16 : memref<!tpu.dma_semaphore, #tpu.memory_space<semaphore_mem>>)
      %dma_start3A_711 = arith.constant 0 : i32
      %dma_start3A_712 = arith.constant 128 : i32
      %dma_start3A_713 = arith.constant 0 : i32
      %dma_start3A_714 = tpu.memref_slice %arg8[%dma_start3A_711, %dma_start3A_712, %dma_start3A_713] : memref<1x200x64xf32, #tpu.memory_space<vmem>> -> memref<1x72x64xf32, #tpu.memory_space<vmem>>
      %dma_start3A_715 = tpu.memref_squeeze %dma_start3A_714 : memref<1x72x64xf32, #tpu.memory_space<vmem>> -> memref<72x64xf32, #tpu.memory_space<vmem>>
      %dma_start3A_716 = arith.constant 128 : i32
      %dma_start3A_717 = tpu.memref_slice %arg5[%add3A_690, %dma_start3A_716] : memref<128x200xi32, #tpu.memory_space<vmem>> -> memref<1x72xi32, #tpu.memory_space<vmem>>
      %dma_start3A_718 = tpu.memref_squeeze %dma_start3A_717 : memref<1x72xi32, #tpu.memory_space<vmem>> -> memref<72xi32, #tpu.memory_space<vmem>>
      %dma_start3A_719 = arith.constant 0 : i32
      %dma_start3A_720 = arith.constant 0 : i32
      %dma_start3A_721 = tpu.memref_slice %arg2[%dma_start3A_719, %dma_start3A_720] : memref<2000000x64xf32, #tpu.memory_space<hbm>> -> memref<2000000x64xf32, #tpu.memory_space<hbm>>
      tpu.enqueue_indirect_dma source(%dma_start3A_721 : memref<2000000x64xf32, #tpu.memory_space<hbm>>) target(%dma_start3A_715 : memref<72x64xf32, #tpu.memory_space<vmem>>) offsets(%dma_start3A_718 : memref<72xi32, #tpu.memory_space<vmem>>) semaphore(%arg16 : memref<!tpu.dma_semaphore, #tpu.memory_space<semaphore_mem>>)
      %mul3A_722 = arith.constant 8 : i32
      %mul3A_723 = arith.muli %scan3A_518, %mul3A_722 : i32
      %add3A_724 = arith.constant 4 : i32
      %add3A_725 = arith.addi %add3A_724, %mul3A_723 : i32
      %add3A_726 = arith.constant 3 : i32
      %add3A_727 = arith.addi %add3A_725, %add3A_726 : i32
      %dma_wait3A_728 = arith.constant 0 : i32
      %dma_wait3A_729 = arith.constant 0 : i32
      %dma_wait3A_730 = arith.constant 0 : i32
      %dma_wait3A_731 = tpu.memref_slice %arg13[%dma_wait3A_728, %dma_wait3A_729, %dma_wait3A_730] : memref<1x200x64xf32, #tpu.memory_space<vmem>> -> memref<1x128x64xf32, #tpu.memory_space<vmem>>
      %dma_wait3A_732 = tpu.memref_squeeze %dma_wait3A_731 : memref<1x128x64xf32, #tpu.memory_space<vmem>> -> memref<128x64xf32, #tpu.memory_space<vmem>>
      %dma_wait3A_733 = arith.constant 0 : i32
      %dma_wait3A_734 = tpu.memref_slice %arg5[%add3A_727, %dma_wait3A_733] : memref<128x200xi32, #tpu.memory_space<vmem>> -> memref<1x128xi32, #tpu.memory_space<vmem>>
      %dma_wait3A_735 = tpu.memref_squeeze %dma_wait3A_734 : memref<1x128xi32, #tpu.memory_space<vmem>> -> memref<128xi32, #tpu.memory_space<vmem>>
      %dma_wait3A_736 = arith.constant 0 : i32
      %dma_wait3A_737 = arith.constant 0 : i32
      %dma_wait3A_738 = tpu.memref_slice %arg2[%dma_wait3A_736, %dma_wait3A_737] : memref<2000000x64xf32, #tpu.memory_space<hbm>> -> memref<2000000x64xf32, #tpu.memory_space<hbm>>
      tpu.wait_indirect_dma semaphore(%arg21 : memref<!tpu.dma_semaphore, #tpu.memory_space<semaphore_mem>>) src(%dma_wait3A_738 : memref<2000000x64xf32, #tpu.memory_space<hbm>>) dst(%dma_wait3A_732 : memref<128x64xf32, #tpu.memory_space<vmem>>)
      %dma_wait3A_739 = arith.constant 0 : i32
      %dma_wait3A_740 = arith.constant 128 : i32
      %dma_wait3A_741 = arith.constant 0 : i32
      %dma_wait3A_742 = tpu.memref_slice %arg13[%dma_wait3A_739, %dma_wait3A_740, %dma_wait3A_741] : memref<1x200x64xf32, #tpu.memory_space<vmem>> -> memref<1x72x64xf32, #tpu.memory_space<vmem>>
      %dma_wait3A_743 = tpu.memref_squeeze %dma_wait3A_742 : memref<1x72x64xf32, #tpu.memory_space<vmem>> -> memref<72x64xf32, #tpu.memory_space<vmem>>
      %dma_wait3A_744 = arith.constant 128 : i32
      %dma_wait3A_745 = tpu.memref_slice %arg5[%add3A_727, %dma_wait3A_744] : memref<128x200xi32, #tpu.memory_space<vmem>> -> memref<1x72xi32, #tpu.memory_space<vmem>>
      %dma_wait3A_746 = tpu.memref_squeeze %dma_wait3A_745 : memref<1x72xi32, #tpu.memory_space<vmem>> -> memref<72xi32, #tpu.memory_space<vmem>>
      %dma_wait3A_747 = arith.constant 0 : i32
      %dma_wait3A_748 = arith.constant 0 : i32
      %dma_wait3A_749 = tpu.memref_slice %arg2[%dma_wait3A_747, %dma_wait3A_748] : memref<2000000x64xf32, #tpu.memory_space<hbm>> -> memref<2000000x64xf32, #tpu.memory_space<hbm>>
      tpu.wait_indirect_dma semaphore(%arg21 : memref<!tpu.dma_semaphore, #tpu.memory_space<semaphore_mem>>) src(%dma_wait3A_749 : memref<2000000x64xf32, #tpu.memory_space<hbm>>) dst(%dma_wait3A_743 : memref<72x64xf32, #tpu.memory_space<vmem>>)
      %add3A_750 = arith.addi %mul3A_2, %add3A_727 : i32
      %dma_start3A_751 = arith.constant 0 : i32
      %dma_start3A_752 = arith.constant 0 : i32
      %dma_start3A_753 = tpu.memref_slice %arg4[%add3A_750, %dma_start3A_751, %dma_start3A_752] : memref<4096x200x128xf32, #tpu.memory_space<hbm>> -> memref<1x200x64xf32, #tpu.memory_space<hbm>>
      %dma_start3A_754 = arith.constant 0 : i32
      %dma_start3A_755 = arith.constant 0 : i32
      %dma_start3A_756 = tpu.memref_slice %arg4[%add3A_750, %dma_start3A_754, %dma_start3A_755] : memref<4096x200x128xf32, #tpu.memory_space<hbm>> -> memref<1x200x64xf32, #tpu.memory_space<hbm>>
      tpu.enqueue_dma source(%arg13 : memref<1x200x64xf32, #tpu.memory_space<vmem>>) target(%dma_start3A_756 : memref<1x200x64xf32, #tpu.memory_space<hbm>>) target_semaphore(%arg29 : memref<!tpu.dma_semaphore, #tpu.memory_space<semaphore_mem>>)
      %add3A_757 = arith.constant 4 : i32
      %add3A_758 = arith.addi %add3A_727, %add3A_757 : i32
      %sub3A_759 = arith.constant 8 : i32
      %sub3A_760 = arith.subi %add3A_758, %sub3A_759 : i32
      %add3A_761 = arith.addi %mul3A_2, %sub3A_760 : i32
      %dma_wait3A_762 = arith.constant 0 : i32
      %dma_wait3A_763 = arith.constant 0 : i32
      %dma_wait3A_764 = tpu.memref_slice %arg4[%add3A_761, %dma_wait3A_762, %dma_wait3A_763] : memref<4096x200x128xf32, #tpu.memory_space<hbm>> -> memref<1x200x64xf32, #tpu.memory_space<hbm>>
      %dma_wait3A_765 = arith.constant 0 : i32
      %dma_wait3A_766 = arith.constant 0 : i32
      %dma_wait3A_767 = tpu.memref_slice %arg4[%add3A_761, %dma_wait3A_765, %dma_wait3A_766] : memref<4096x200x128xf32, #tpu.memory_space<hbm>> -> memref<1x200x64xf32, #tpu.memory_space<hbm>>
      tpu.wait_dma2 semaphore(%arg25 : memref<!tpu.dma_semaphore, #tpu.memory_space<semaphore_mem>>) src(%arg9 : memref<1x200x64xf32, #tpu.memory_space<vmem>>) dst(%dma_wait3A_767 : memref<1x200x64xf32, #tpu.memory_space<hbm>>)
      %dma_start3A_768 = arith.constant 0 : i32
      %dma_start3A_769 = arith.constant 0 : i32
      %dma_start3A_770 = arith.constant 0 : i32
      %dma_start3A_771 = tpu.memref_slice %arg9[%dma_start3A_768, %dma_start3A_769, %dma_start3A_770] : memref<1x200x64xf32, #tpu.memory_space<vmem>> -> memref<1x128x64xf32, #tpu.memory_space<vmem>>
      %dma_start3A_772 = tpu.memref_squeeze %dma_start3A_771 : memref<1x128x64xf32, #tpu.memory_space<vmem>> -> memref<128x64xf32, #tpu.memory_space<vmem>>
      %dma_start3A_773 = arith.constant 0 : i32
      %dma_start3A_774 = tpu.memref_slice %arg5[%add3A_758, %dma_start3A_773] : memref<128x200xi32, #tpu.memory_space<vmem>> -> memref<1x128xi32, #tpu.memory_space<vmem>>
      %dma_start3A_775 = tpu.memref_squeeze %dma_start3A_774 : memref<1x128xi32, #tpu.memory_space<vmem>> -> memref<128xi32, #tpu.memory_space<vmem>>
      %dma_start3A_776 = arith.constant 0 : i32
      %dma_start3A_777 = arith.constant 0 : i32
      %dma_start3A_778 = tpu.memref_slice %arg2[%dma_start3A_776, %dma_start3A_777] : memref<2000000x64xf32, #tpu.memory_space<hbm>> -> memref<2000000x64xf32, #tpu.memory_space<hbm>>
      tpu.enqueue_indirect_dma source(%dma_start3A_778 : memref<2000000x64xf32, #tpu.memory_space<hbm>>) target(%dma_start3A_772 : memref<128x64xf32, #tpu.memory_space<vmem>>) offsets(%dma_start3A_775 : memref<128xi32, #tpu.memory_space<vmem>>) semaphore(%arg17 : memref<!tpu.dma_semaphore, #tpu.memory_space<semaphore_mem>>)
      %dma_start3A_779 = arith.constant 0 : i32
      %dma_start3A_780 = arith.constant 128 : i32
      %dma_start3A_781 = arith.constant 0 : i32
      %dma_start3A_782 = tpu.memref_slice %arg9[%dma_start3A_779, %dma_start3A_780, %dma_start3A_781] : memref<1x200x64xf32, #tpu.memory_space<vmem>> -> memref<1x72x64xf32, #tpu.memory_space<vmem>>
      %dma_start3A_783 = tpu.memref_squeeze %dma_start3A_782 : memref<1x72x64xf32, #tpu.memory_space<vmem>> -> memref<72x64xf32, #tpu.memory_space<vmem>>
      %dma_start3A_784 = arith.constant 128 : i32
      %dma_start3A_785 = tpu.memref_slice %arg5[%add3A_758, %dma_start3A_784] : memref<128x200xi32, #tpu.memory_space<vmem>> -> memref<1x72xi32, #tpu.memory_space<vmem>>
      %dma_start3A_786 = tpu.memref_squeeze %dma_start3A_785 : memref<1x72xi32, #tpu.memory_space<vmem>> -> memref<72xi32, #tpu.memory_space<vmem>>
      %dma_start3A_787 = arith.constant 0 : i32
      %dma_start3A_788 = arith.constant 0 : i32
      %dma_start3A_789 = tpu.memref_slice %arg2[%dma_start3A_787, %dma_start3A_788] : memref<2000000x64xf32, #tpu.memory_space<hbm>> -> memref<2000000x64xf32, #tpu.memory_space<hbm>>
      tpu.enqueue_indirect_dma source(%dma_start3A_789 : memref<2000000x64xf32, #tpu.memory_space<hbm>>) target(%dma_start3A_783 : memref<72x64xf32, #tpu.memory_space<vmem>>) offsets(%dma_start3A_786 : memref<72xi32, #tpu.memory_space<vmem>>) semaphore(%arg17 : memref<!tpu.dma_semaphore, #tpu.memory_space<semaphore_mem>>)
      %mul3A_790 = arith.constant 8 : i32
      %mul3A_791 = arith.muli %scan3A_518, %mul3A_790 : i32
      %add3A_792 = arith.constant 4 : i32
      %add3A_793 = arith.addi %add3A_792, %mul3A_791 : i32
      %add3A_794 = arith.constant 4 : i32
      %add3A_795 = arith.addi %add3A_793, %add3A_794 : i32
      %dma_wait3A_796 = arith.constant 0 : i32
      %dma_wait3A_797 = arith.constant 0 : i32
      %dma_wait3A_798 = arith.constant 0 : i32
      %dma_wait3A_799 = tpu.memref_slice %arg6[%dma_wait3A_796, %dma_wait3A_797, %dma_wait3A_798] : memref<1x200x64xf32, #tpu.memory_space<vmem>> -> memref<1x128x64xf32, #tpu.memory_space<vmem>>
      %dma_wait3A_800 = tpu.memref_squeeze %dma_wait3A_799 : memref<1x128x64xf32, #tpu.memory_space<vmem>> -> memref<128x64xf32, #tpu.memory_space<vmem>>
      %dma_wait3A_801 = arith.constant 0 : i32
      %dma_wait3A_802 = tpu.memref_slice %arg5[%add3A_795, %dma_wait3A_801] : memref<128x200xi32, #tpu.memory_space<vmem>> -> memref<1x128xi32, #tpu.memory_space<vmem>>
      %dma_wait3A_803 = tpu.memref_squeeze %dma_wait3A_802 : memref<1x128xi32, #tpu.memory_space<vmem>> -> memref<128xi32, #tpu.memory_space<vmem>>
      %dma_wait3A_804 = arith.constant 0 : i32
      %dma_wait3A_805 = arith.constant 0 : i32
      %dma_wait3A_806 = tpu.memref_slice %arg2[%dma_wait3A_804, %dma_wait3A_805] : memref<2000000x64xf32, #tpu.memory_space<hbm>> -> memref<2000000x64xf32, #tpu.memory_space<hbm>>
      tpu.wait_indirect_dma semaphore(%arg14 : memref<!tpu.dma_semaphore, #tpu.memory_space<semaphore_mem>>) src(%dma_wait3A_806 : memref<2000000x64xf32, #tpu.memory_space<hbm>>) dst(%dma_wait3A_800 : memref<128x64xf32, #tpu.memory_space<vmem>>)
      %dma_wait3A_807 = arith.constant 0 : i32
      %dma_wait3A_808 = arith.constant 128 : i32
      %dma_wait3A_809 = arith.constant 0 : i32
      %dma_wait3A_810 = tpu.memref_slice %arg6[%dma_wait3A_807, %dma_wait3A_808, %dma_wait3A_809] : memref<1x200x64xf32, #tpu.memory_space<vmem>> -> memref<1x72x64xf32, #tpu.memory_space<vmem>>
      %dma_wait3A_811 = tpu.memref_squeeze %dma_wait3A_810 : memref<1x72x64xf32, #tpu.memory_space<vmem>> -> memref<72x64xf32, #tpu.memory_space<vmem>>
      %dma_wait3A_812 = arith.constant 128 : i32
      %dma_wait3A_813 = tpu.memref_slice %arg5[%add3A_795, %dma_wait3A_812] : memref<128x200xi32, #tpu.memory_space<vmem>> -> memref<1x72xi32, #tpu.memory_space<vmem>>
      %dma_wait3A_814 = tpu.memref_squeeze %dma_wait3A_813 : memref<1x72xi32, #tpu.memory_space<vmem>> -> memref<72xi32, #tpu.memory_space<vmem>>
      %dma_wait3A_815 = arith.constant 0 : i32
      %dma_wait3A_816 = arith.constant 0 : i32
      %dma_wait3A_817 = tpu.memref_slice %arg2[%dma_wait3A_815, %dma_wait3A_816] : memref<2000000x64xf32, #tpu.memory_space<hbm>> -> memref<2000000x64xf32, #tpu.memory_space<hbm>>
      tpu.wait_indirect_dma semaphore(%arg14 : memref<!tpu.dma_semaphore, #tpu.memory_space<semaphore_mem>>) src(%dma_wait3A_817 : memref<2000000x64xf32, #tpu.memory_space<hbm>>) dst(%dma_wait3A_811 : memref<72x64xf32, #tpu.memory_space<vmem>>)
      %add3A_818 = arith.addi %mul3A_2, %add3A_795 : i32
      %dma_start3A_819 = arith.constant 0 : i32
      %dma_start3A_820 = arith.constant 0 : i32
      %dma_start3A_821 = tpu.memref_slice %arg4[%add3A_818, %dma_start3A_819, %dma_start3A_820] : memref<4096x200x128xf32, #tpu.memory_space<hbm>> -> memref<1x200x64xf32, #tpu.memory_space<hbm>>
      %dma_start3A_822 = arith.constant 0 : i32
      %dma_start3A_823 = arith.constant 0 : i32
      %dma_start3A_824 = tpu.memref_slice %arg4[%add3A_818, %dma_start3A_822, %dma_start3A_823] : memref<4096x200x128xf32, #tpu.memory_space<hbm>> -> memref<1x200x64xf32, #tpu.memory_space<hbm>>
      tpu.enqueue_dma source(%arg6 : memref<1x200x64xf32, #tpu.memory_space<vmem>>) target(%dma_start3A_824 : memref<1x200x64xf32, #tpu.memory_space<hbm>>) target_semaphore(%arg22 : memref<!tpu.dma_semaphore, #tpu.memory_space<semaphore_mem>>)
      %add3A_825 = arith.constant 4 : i32
      %add3A_826 = arith.addi %add3A_795, %add3A_825 : i32
      %sub3A_827 = arith.constant 8 : i32
      %sub3A_828 = arith.subi %add3A_826, %sub3A_827 : i32
      %add3A_829 = arith.addi %mul3A_2, %sub3A_828 : i32
      %dma_wait3A_830 = arith.constant 0 : i32
      %dma_wait3A_831 = arith.constant 0 : i32
      %dma_wait3A_832 = tpu.memref_slice %arg4[%add3A_829, %dma_wait3A_830, %dma_wait3A_831] : memref<4096x200x128xf32, #tpu.memory_space<hbm>> -> memref<1x200x64xf32, #tpu.memory_space<hbm>>
      %dma_wait3A_833 = arith.constant 0 : i32
      %dma_wait3A_834 = arith.constant 0 : i32
      %dma_wait3A_835 = tpu.memref_slice %arg4[%add3A_829, %dma_wait3A_833, %dma_wait3A_834] : memref<4096x200x128xf32, #tpu.memory_space<hbm>> -> memref<1x200x64xf32, #tpu.memory_space<hbm>>
      tpu.wait_dma2 semaphore(%arg26 : memref<!tpu.dma_semaphore, #tpu.memory_space<semaphore_mem>>) src(%arg10 : memref<1x200x64xf32, #tpu.memory_space<vmem>>) dst(%dma_wait3A_835 : memref<1x200x64xf32, #tpu.memory_space<hbm>>)
      %dma_start3A_836 = arith.constant 0 : i32
      %dma_start3A_837 = arith.constant 0 : i32
      %dma_start3A_838 = arith.constant 0 : i32
      %dma_start3A_839 = tpu.memref_slice %arg10[%dma_start3A_836, %dma_start3A_837, %dma_start3A_838] : memref<1x200x64xf32, #tpu.memory_space<vmem>> -> memref<1x128x64xf32, #tpu.memory_space<vmem>>
      %dma_start3A_840 = tpu.memref_squeeze %dma_start3A_839 : memref<1x128x64xf32, #tpu.memory_space<vmem>> -> memref<128x64xf32, #tpu.memory_space<vmem>>
      %dma_start3A_841 = arith.constant 0 : i32
      %dma_start3A_842 = tpu.memref_slice %arg5[%add3A_826, %dma_start3A_841] : memref<128x200xi32, #tpu.memory_space<vmem>> -> memref<1x128xi32, #tpu.memory_space<vmem>>
      %dma_start3A_843 = tpu.memref_squeeze %dma_start3A_842 : memref<1x128xi32, #tpu.memory_space<vmem>> -> memref<128xi32, #tpu.memory_space<vmem>>
      %dma_start3A_844 = arith.constant 0 : i32
      %dma_start3A_845 = arith.constant 0 : i32
      %dma_start3A_846 = tpu.memref_slice %arg2[%dma_start3A_844, %dma_start3A_845] : memref<2000000x64xf32, #tpu.memory_space<hbm>> -> memref<2000000x64xf32, #tpu.memory_space<hbm>>
      tpu.enqueue_indirect_dma source(%dma_start3A_846 : memref<2000000x64xf32, #tpu.memory_space<hbm>>) target(%dma_start3A_840 : memref<128x64xf32, #tpu.memory_space<vmem>>) offsets(%dma_start3A_843 : memref<128xi32, #tpu.memory_space<vmem>>) semaphore(%arg18 : memref<!tpu.dma_semaphore, #tpu.memory_space<semaphore_mem>>)
      %dma_start3A_847 = arith.constant 0 : i32
      %dma_start3A_848 = arith.constant 128 : i32
      %dma_start3A_849 = arith.constant 0 : i32
      %dma_start3A_850 = tpu.memref_slice %arg10[%dma_start3A_847, %dma_start3A_848, %dma_start3A_849] : memref<1x200x64xf32, #tpu.memory_space<vmem>> -> memref<1x72x64xf32, #tpu.memory_space<vmem>>
      %dma_start3A_851 = tpu.memref_squeeze %dma_start3A_850 : memref<1x72x64xf32, #tpu.memory_space<vmem>> -> memref<72x64xf32, #tpu.memory_space<vmem>>
      %dma_start3A_852 = arith.constant 128 : i32
      %dma_start3A_853 = tpu.memref_slice %arg5[%add3A_826, %dma_start3A_852] : memref<128x200xi32, #tpu.memory_space<vmem>> -> memref<1x72xi32, #tpu.memory_space<vmem>>
      %dma_start3A_854 = tpu.memref_squeeze %dma_start3A_853 : memref<1x72xi32, #tpu.memory_space<vmem>> -> memref<72xi32, #tpu.memory_space<vmem>>
      %dma_start3A_855 = arith.constant 0 : i32
      %dma_start3A_856 = arith.constant 0 : i32
      %dma_start3A_857 = tpu.memref_slice %arg2[%dma_start3A_855, %dma_start3A_856] : memref<2000000x64xf32, #tpu.memory_space<hbm>> -> memref<2000000x64xf32, #tpu.memory_space<hbm>>
      tpu.enqueue_indirect_dma source(%dma_start3A_857 : memref<2000000x64xf32, #tpu.memory_space<hbm>>) target(%dma_start3A_851 : memref<72x64xf32, #tpu.memory_space<vmem>>) offsets(%dma_start3A_854 : memref<72xi32, #tpu.memory_space<vmem>>) semaphore(%arg18 : memref<!tpu.dma_semaphore, #tpu.memory_space<semaphore_mem>>)
      %mul3A_858 = arith.constant 8 : i32
      %mul3A_859 = arith.muli %scan3A_518, %mul3A_858 : i32
      %add3A_860 = arith.constant 4 : i32
      %add3A_861 = arith.addi %add3A_860, %mul3A_859 : i32
      %add3A_862 = arith.constant 5 : i32
      %add3A_863 = arith.addi %add3A_861, %add3A_862 : i32
      %dma_wait3A_864 = arith.constant 0 : i32
      %dma_wait3A_865 = arith.constant 0 : i32
      %dma_wait3A_866 = arith.constant 0 : i32
      %dma_wait3A_867 = tpu.memref_slice %arg7[%dma_wait3A_864, %dma_wait3A_865, %dma_wait3A_866] : memref<1x200x64xf32, #tpu.memory_space<vmem>> -> memref<1x128x64xf32, #tpu.memory_space<vmem>>
      %dma_wait3A_868 = tpu.memref_squeeze %dma_wait3A_867 : memref<1x128x64xf32, #tpu.memory_space<vmem>> -> memref<128x64xf32, #tpu.memory_space<vmem>>
      %dma_wait3A_869 = arith.constant 0 : i32
      %dma_wait3A_870 = tpu.memref_slice %arg5[%add3A_863, %dma_wait3A_869] : memref<128x200xi32, #tpu.memory_space<vmem>> -> memref<1x128xi32, #tpu.memory_space<vmem>>
      %dma_wait3A_871 = tpu.memref_squeeze %dma_wait3A_870 : memref<1x128xi32, #tpu.memory_space<vmem>> -> memref<128xi32, #tpu.memory_space<vmem>>
      %dma_wait3A_872 = arith.constant 0 : i32
      %dma_wait3A_873 = arith.constant 0 : i32
      %dma_wait3A_874 = tpu.memref_slice %arg2[%dma_wait3A_872, %dma_wait3A_873] : memref<2000000x64xf32, #tpu.memory_space<hbm>> -> memref<2000000x64xf32, #tpu.memory_space<hbm>>
      tpu.wait_indirect_dma semaphore(%arg15 : memref<!tpu.dma_semaphore, #tpu.memory_space<semaphore_mem>>) src(%dma_wait3A_874 : memref<2000000x64xf32, #tpu.memory_space<hbm>>) dst(%dma_wait3A_868 : memref<128x64xf32, #tpu.memory_space<vmem>>)
      %dma_wait3A_875 = arith.constant 0 : i32
      %dma_wait3A_876 = arith.constant 128 : i32
      %dma_wait3A_877 = arith.constant 0 : i32
      %dma_wait3A_878 = tpu.memref_slice %arg7[%dma_wait3A_875, %dma_wait3A_876, %dma_wait3A_877] : memref<1x200x64xf32, #tpu.memory_space<vmem>> -> memref<1x72x64xf32, #tpu.memory_space<vmem>>
      %dma_wait3A_879 = tpu.memref_squeeze %dma_wait3A_878 : memref<1x72x64xf32, #tpu.memory_space<vmem>> -> memref<72x64xf32, #tpu.memory_space<vmem>>
      %dma_wait3A_880 = arith.constant 128 : i32
      %dma_wait3A_881 = tpu.memref_slice %arg5[%add3A_863, %dma_wait3A_880] : memref<128x200xi32, #tpu.memory_space<vmem>> -> memref<1x72xi32, #tpu.memory_space<vmem>>
      %dma_wait3A_882 = tpu.memref_squeeze %dma_wait3A_881 : memref<1x72xi32, #tpu.memory_space<vmem>> -> memref<72xi32, #tpu.memory_space<vmem>>
      %dma_wait3A_883 = arith.constant 0 : i32
      %dma_wait3A_884 = arith.constant 0 : i32
      %dma_wait3A_885 = tpu.memref_slice %arg2[%dma_wait3A_883, %dma_wait3A_884] : memref<2000000x64xf32, #tpu.memory_space<hbm>> -> memref<2000000x64xf32, #tpu.memory_space<hbm>>
      tpu.wait_indirect_dma semaphore(%arg15 : memref<!tpu.dma_semaphore, #tpu.memory_space<semaphore_mem>>) src(%dma_wait3A_885 : memref<2000000x64xf32, #tpu.memory_space<hbm>>) dst(%dma_wait3A_879 : memref<72x64xf32, #tpu.memory_space<vmem>>)
      %add3A_886 = arith.addi %mul3A_2, %add3A_863 : i32
      %dma_start3A_887 = arith.constant 0 : i32
      %dma_start3A_888 = arith.constant 0 : i32
      %dma_start3A_889 = tpu.memref_slice %arg4[%add3A_886, %dma_start3A_887, %dma_start3A_888] : memref<4096x200x128xf32, #tpu.memory_space<hbm>> -> memref<1x200x64xf32, #tpu.memory_space<hbm>>
      %dma_start3A_890 = arith.constant 0 : i32
      %dma_start3A_891 = arith.constant 0 : i32
      %dma_start3A_892 = tpu.memref_slice %arg4[%add3A_886, %dma_start3A_890, %dma_start3A_891] : memref<4096x200x128xf32, #tpu.memory_space<hbm>> -> memref<1x200x64xf32, #tpu.memory_space<hbm>>
      tpu.enqueue_dma source(%arg7 : memref<1x200x64xf32, #tpu.memory_space<vmem>>) target(%dma_start3A_892 : memref<1x200x64xf32, #tpu.memory_space<hbm>>) target_semaphore(%arg23 : memref<!tpu.dma_semaphore, #tpu.memory_space<semaphore_mem>>)
      %add3A_893 = arith.constant 4 : i32
      %add3A_894 = arith.addi %add3A_863, %add3A_893 : i32
      %sub3A_895 = arith.constant 8 : i32
      %sub3A_896 = arith.subi %add3A_894, %sub3A_895 : i32
      %add3A_897 = arith.addi %mul3A_2, %sub3A_896 : i32
      %dma_wait3A_898 = arith.constant 0 : i32
      %dma_wait3A_899 = arith.constant 0 : i32
      %dma_wait3A_900 = tpu.memref_slice %arg4[%add3A_897, %dma_wait3A_898, %dma_wait3A_899] : memref<4096x200x128xf32, #tpu.memory_space<hbm>> -> memref<1x200x64xf32, #tpu.memory_space<hbm>>
      %dma_wait3A_901 = arith.constant 0 : i32
      %dma_wait3A_902 = arith.constant 0 : i32
      %dma_wait3A_903 = tpu.memref_slice %arg4[%add3A_897, %dma_wait3A_901, %dma_wait3A_902] : memref<4096x200x128xf32, #tpu.memory_space<hbm>> -> memref<1x200x64xf32, #tpu.memory_space<hbm>>
      tpu.wait_dma2 semaphore(%arg27 : memref<!tpu.dma_semaphore, #tpu.memory_space<semaphore_mem>>) src(%arg11 : memref<1x200x64xf32, #tpu.memory_space<vmem>>) dst(%dma_wait3A_903 : memref<1x200x64xf32, #tpu.memory_space<hbm>>)
      %dma_start3A_904 = arith.constant 0 : i32
      %dma_start3A_905 = arith.constant 0 : i32
      %dma_start3A_906 = arith.constant 0 : i32
      %dma_start3A_907 = tpu.memref_slice %arg11[%dma_start3A_904, %dma_start3A_905, %dma_start3A_906] : memref<1x200x64xf32, #tpu.memory_space<vmem>> -> memref<1x128x64xf32, #tpu.memory_space<vmem>>
      %dma_start3A_908 = tpu.memref_squeeze %dma_start3A_907 : memref<1x128x64xf32, #tpu.memory_space<vmem>> -> memref<128x64xf32, #tpu.memory_space<vmem>>
      %dma_start3A_909 = arith.constant 0 : i32
      %dma_start3A_910 = tpu.memref_slice %arg5[%add3A_894, %dma_start3A_909] : memref<128x200xi32, #tpu.memory_space<vmem>> -> memref<1x128xi32, #tpu.memory_space<vmem>>
      %dma_start3A_911 = tpu.memref_squeeze %dma_start3A_910 : memref<1x128xi32, #tpu.memory_space<vmem>> -> memref<128xi32, #tpu.memory_space<vmem>>
      %dma_start3A_912 = arith.constant 0 : i32
      %dma_start3A_913 = arith.constant 0 : i32
      %dma_start3A_914 = tpu.memref_slice %arg2[%dma_start3A_912, %dma_start3A_913] : memref<2000000x64xf32, #tpu.memory_space<hbm>> -> memref<2000000x64xf32, #tpu.memory_space<hbm>>
      tpu.enqueue_indirect_dma source(%dma_start3A_914 : memref<2000000x64xf32, #tpu.memory_space<hbm>>) target(%dma_start3A_908 : memref<128x64xf32, #tpu.memory_space<vmem>>) offsets(%dma_start3A_911 : memref<128xi32, #tpu.memory_space<vmem>>) semaphore(%arg19 : memref<!tpu.dma_semaphore, #tpu.memory_space<semaphore_mem>>)
      %dma_start3A_915 = arith.constant 0 : i32
      %dma_start3A_916 = arith.constant 128 : i32
      %dma_start3A_917 = arith.constant 0 : i32
      %dma_start3A_918 = tpu.memref_slice %arg11[%dma_start3A_915, %dma_start3A_916, %dma_start3A_917] : memref<1x200x64xf32, #tpu.memory_space<vmem>> -> memref<1x72x64xf32, #tpu.memory_space<vmem>>
      %dma_start3A_919 = tpu.memref_squeeze %dma_start3A_918 : memref<1x72x64xf32, #tpu.memory_space<vmem>> -> memref<72x64xf32, #tpu.memory_space<vmem>>
      %dma_start3A_920 = arith.constant 128 : i32
      %dma_start3A_921 = tpu.memref_slice %arg5[%add3A_894, %dma_start3A_920] : memref<128x200xi32, #tpu.memory_space<vmem>> -> memref<1x72xi32, #tpu.memory_space<vmem>>
      %dma_start3A_922 = tpu.memref_squeeze %dma_start3A_921 : memref<1x72xi32, #tpu.memory_space<vmem>> -> memref<72xi32, #tpu.memory_space<vmem>>
      %dma_start3A_923 = arith.constant 0 : i32
      %dma_start3A_924 = arith.constant 0 : i32
      %dma_start3A_925 = tpu.memref_slice %arg2[%dma_start3A_923, %dma_start3A_924] : memref<2000000x64xf32, #tpu.memory_space<hbm>> -> memref<2000000x64xf32, #tpu.memory_space<hbm>>
      tpu.enqueue_indirect_dma source(%dma_start3A_925 : memref<2000000x64xf32, #tpu.memory_space<hbm>>) target(%dma_start3A_919 : memref<72x64xf32, #tpu.memory_space<vmem>>) offsets(%dma_start3A_922 : memref<72xi32, #tpu.memory_space<vmem>>) semaphore(%arg19 : memref<!tpu.dma_semaphore, #tpu.memory_space<semaphore_mem>>)
      %mul3A_926 = arith.constant 8 : i32
      %mul3A_927 = arith.muli %scan3A_518, %mul3A_926 : i32
      %add3A_928 = arith.constant 4 : i32
      %add3A_929 = arith.addi %add3A_928, %mul3A_927 : i32
      %add3A_930 = arith.constant 6 : i32
      %add3A_931 = arith.addi %add3A_929, %add3A_930 : i32
      %dma_wait3A_932 = arith.constant 0 : i32
      %dma_wait3A_933 = arith.constant 0 : i32
      %dma_wait3A_934 = arith.constant 0 : i32
      %dma_wait3A_935 = tpu.memref_slice %arg8[%dma_wait3A_932, %dma_wait3A_933, %dma_wait3A_934] : memref<1x200x64xf32, #tpu.memory_space<vmem>> -> memref<1x128x64xf32, #tpu.memory_space<vmem>>
      %dma_wait3A_936 = tpu.memref_squeeze %dma_wait3A_935 : memref<1x128x64xf32, #tpu.memory_space<vmem>> -> memref<128x64xf32, #tpu.memory_space<vmem>>
      %dma_wait3A_937 = arith.constant 0 : i32
      %dma_wait3A_938 = tpu.memref_slice %arg5[%add3A_931, %dma_wait3A_937] : memref<128x200xi32, #tpu.memory_space<vmem>> -> memref<1x128xi32, #tpu.memory_space<vmem>>
      %dma_wait3A_939 = tpu.memref_squeeze %dma_wait3A_938 : memref<1x128xi32, #tpu.memory_space<vmem>> -> memref<128xi32, #tpu.memory_space<vmem>>
      %dma_wait3A_940 = arith.constant 0 : i32
      %dma_wait3A_941 = arith.constant 0 : i32
      %dma_wait3A_942 = tpu.memref_slice %arg2[%dma_wait3A_940, %dma_wait3A_941] : memref<2000000x64xf32, #tpu.memory_space<hbm>> -> memref<2000000x64xf32, #tpu.memory_space<hbm>>
      tpu.wait_indirect_dma semaphore(%arg16 : memref<!tpu.dma_semaphore, #tpu.memory_space<semaphore_mem>>) src(%dma_wait3A_942 : memref<2000000x64xf32, #tpu.memory_space<hbm>>) dst(%dma_wait3A_936 : memref<128x64xf32, #tpu.memory_space<vmem>>)
      %dma_wait3A_943 = arith.constant 0 : i32
      %dma_wait3A_944 = arith.constant 128 : i32
      %dma_wait3A_945 = arith.constant 0 : i32
      %dma_wait3A_946 = tpu.memref_slice %arg8[%dma_wait3A_943, %dma_wait3A_944, %dma_wait3A_945] : memref<1x200x64xf32, #tpu.memory_space<vmem>> -> memref<1x72x64xf32, #tpu.memory_space<vmem>>
      %dma_wait3A_947 = tpu.memref_squeeze %dma_wait3A_946 : memref<1x72x64xf32, #tpu.memory_space<vmem>> -> memref<72x64xf32, #tpu.memory_space<vmem>>
      %dma_wait3A_948 = arith.constant 128 : i32
      %dma_wait3A_949 = tpu.memref_slice %arg5[%add3A_931, %dma_wait3A_948] : memref<128x200xi32, #tpu.memory_space<vmem>> -> memref<1x72xi32, #tpu.memory_space<vmem>>
      %dma_wait3A_950 = tpu.memref_squeeze %dma_wait3A_949 : memref<1x72xi32, #tpu.memory_space<vmem>> -> memref<72xi32, #tpu.memory_space<vmem>>
      %dma_wait3A_951 = arith.constant 0 : i32
      %dma_wait3A_952 = arith.constant 0 : i32
      %dma_wait3A_953 = tpu.memref_slice %arg2[%dma_wait3A_951, %dma_wait3A_952] : memref<2000000x64xf32, #tpu.memory_space<hbm>> -> memref<2000000x64xf32, #tpu.memory_space<hbm>>
      tpu.wait_indirect_dma semaphore(%arg16 : memref<!tpu.dma_semaphore, #tpu.memory_space<semaphore_mem>>) src(%dma_wait3A_953 : memref<2000000x64xf32, #tpu.memory_space<hbm>>) dst(%dma_wait3A_947 : memref<72x64xf32, #tpu.memory_space<vmem>>)
      %add3A_954 = arith.addi %mul3A_2, %add3A_931 : i32
      %dma_start3A_955 = arith.constant 0 : i32
      %dma_start3A_956 = arith.constant 0 : i32
      %dma_start3A_957 = tpu.memref_slice %arg4[%add3A_954, %dma_start3A_955, %dma_start3A_956] : memref<4096x200x128xf32, #tpu.memory_space<hbm>> -> memref<1x200x64xf32, #tpu.memory_space<hbm>>
      %dma_start3A_958 = arith.constant 0 : i32
      %dma_start3A_959 = arith.constant 0 : i32
      %dma_start3A_960 = tpu.memref_slice %arg4[%add3A_954, %dma_start3A_958, %dma_start3A_959] : memref<4096x200x128xf32, #tpu.memory_space<hbm>> -> memref<1x200x64xf32, #tpu.memory_space<hbm>>
      tpu.enqueue_dma source(%arg8 : memref<1x200x64xf32, #tpu.memory_space<vmem>>) target(%dma_start3A_960 : memref<1x200x64xf32, #tpu.memory_space<hbm>>) target_semaphore(%arg24 : memref<!tpu.dma_semaphore, #tpu.memory_space<semaphore_mem>>)
      %add3A_961 = arith.constant 4 : i32
      %add3A_962 = arith.addi %add3A_931, %add3A_961 : i32
      %sub3A_963 = arith.constant 8 : i32
      %sub3A_964 = arith.subi %add3A_962, %sub3A_963 : i32
      %add3A_965 = arith.addi %mul3A_2, %sub3A_964 : i32
      %dma_wait3A_966 = arith.constant 0 : i32
      %dma_wait3A_967 = arith.constant 0 : i32
      %dma_wait3A_968 = tpu.memref_slice %arg4[%add3A_965, %dma_wait3A_966, %dma_wait3A_967] : memref<4096x200x128xf32, #tpu.memory_space<hbm>> -> memref<1x200x64xf32, #tpu.memory_space<hbm>>
      %dma_wait3A_969 = arith.constant 0 : i32
      %dma_wait3A_970 = arith.constant 0 : i32
      %dma_wait3A_971 = tpu.memref_slice %arg4[%add3A_965, %dma_wait3A_969, %dma_wait3A_970] : memref<4096x200x128xf32, #tpu.memory_space<hbm>> -> memref<1x200x64xf32, #tpu.memory_space<hbm>>
      tpu.wait_dma2 semaphore(%arg28 : memref<!tpu.dma_semaphore, #tpu.memory_space<semaphore_mem>>) src(%arg12 : memref<1x200x64xf32, #tpu.memory_space<vmem>>) dst(%dma_wait3A_971 : memref<1x200x64xf32, #tpu.memory_space<hbm>>)
      %dma_start3A_972 = arith.constant 0 : i32
      %dma_start3A_973 = arith.constant 0 : i32
      %dma_start3A_974 = arith.constant 0 : i32
      %dma_start3A_975 = tpu.memref_slice %arg12[%dma_start3A_972, %dma_start3A_973, %dma_start3A_974] : memref<1x200x64xf32, #tpu.memory_space<vmem>> -> memref<1x128x64xf32, #tpu.memory_space<vmem>>
      %dma_start3A_976 = tpu.memref_squeeze %dma_start3A_975 : memref<1x128x64xf32, #tpu.memory_space<vmem>> -> memref<128x64xf32, #tpu.memory_space<vmem>>
      %dma_start3A_977 = arith.constant 0 : i32
      %dma_start3A_978 = tpu.memref_slice %arg5[%add3A_962, %dma_start3A_977] : memref<128x200xi32, #tpu.memory_space<vmem>> -> memref<1x128xi32, #tpu.memory_space<vmem>>
      %dma_start3A_979 = tpu.memref_squeeze %dma_start3A_978 : memref<1x128xi32, #tpu.memory_space<vmem>> -> memref<128xi32, #tpu.memory_space<vmem>>
      %dma_start3A_980 = arith.constant 0 : i32
      %dma_start3A_981 = arith.constant 0 : i32
      %dma_start3A_982 = tpu.memref_slice %arg2[%dma_start3A_980, %dma_start3A_981] : memref<2000000x64xf32, #tpu.memory_space<hbm>> -> memref<2000000x64xf32, #tpu.memory_space<hbm>>
      tpu.enqueue_indirect_dma source(%dma_start3A_982 : memref<2000000x64xf32, #tpu.memory_space<hbm>>) target(%dma_start3A_976 : memref<128x64xf32, #tpu.memory_space<vmem>>) offsets(%dma_start3A_979 : memref<128xi32, #tpu.memory_space<vmem>>) semaphore(%arg20 : memref<!tpu.dma_semaphore, #tpu.memory_space<semaphore_mem>>)
      %dma_start3A_983 = arith.constant 0 : i32
      %dma_start3A_984 = arith.constant 128 : i32
      %dma_start3A_985 = arith.constant 0 : i32
      %dma_start3A_986 = tpu.memref_slice %arg12[%dma_start3A_983, %dma_start3A_984, %dma_start3A_985] : memref<1x200x64xf32, #tpu.memory_space<vmem>> -> memref<1x72x64xf32, #tpu.memory_space<vmem>>
      %dma_start3A_987 = tpu.memref_squeeze %dma_start3A_986 : memref<1x72x64xf32, #tpu.memory_space<vmem>> -> memref<72x64xf32, #tpu.memory_space<vmem>>
      %dma_start3A_988 = arith.constant 128 : i32
      %dma_start3A_989 = tpu.memref_slice %arg5[%add3A_962, %dma_start3A_988] : memref<128x200xi32, #tpu.memory_space<vmem>> -> memref<1x72xi32, #tpu.memory_space<vmem>>
      %dma_start3A_990 = tpu.memref_squeeze %dma_start3A_989 : memref<1x72xi32, #tpu.memory_space<vmem>> -> memref<72xi32, #tpu.memory_space<vmem>>
      %dma_start3A_991 = arith.constant 0 : i32
      %dma_start3A_992 = arith.constant 0 : i32
      %dma_start3A_993 = tpu.memref_slice %arg2[%dma_start3A_991, %dma_start3A_992] : memref<2000000x64xf32, #tpu.memory_space<hbm>> -> memref<2000000x64xf32, #tpu.memory_space<hbm>>
      tpu.enqueue_indirect_dma source(%dma_start3A_993 : memref<2000000x64xf32, #tpu.memory_space<hbm>>) target(%dma_start3A_987 : memref<72x64xf32, #tpu.memory_space<vmem>>) offsets(%dma_start3A_990 : memref<72xi32, #tpu.memory_space<vmem>>) semaphore(%arg20 : memref<!tpu.dma_semaphore, #tpu.memory_space<semaphore_mem>>)
      %mul3A_994 = arith.constant 8 : i32
      %mul3A_995 = arith.muli %scan3A_518, %mul3A_994 : i32
      %add3A_996 = arith.constant 4 : i32
      %add3A_997 = arith.addi %add3A_996, %mul3A_995 : i32
      %add3A_998 = arith.constant 7 : i32
      %add3A_999 = arith.addi %add3A_997, %add3A_998 : i32
      %dma_wait3A_1000 = arith.constant 0 : i32
      %dma_wait3A_1001 = arith.constant 0 : i32
      %dma_wait3A_1002 = arith.constant 0 : i32
      %dma_wait3A_1003 = tpu.memref_slice %arg9[%dma_wait3A_1000, %dma_wait3A_1001, %dma_wait3A_1002] : memref<1x200x64xf32, #tpu.memory_space<vmem>> -> memref<1x128x64xf32, #tpu.memory_space<vmem>>
      %dma_wait3A_1004 = tpu.memref_squeeze %dma_wait3A_1003 : memref<1x128x64xf32, #tpu.memory_space<vmem>> -> memref<128x64xf32, #tpu.memory_space<vmem>>
      %dma_wait3A_1005 = arith.constant 0 : i32
      %dma_wait3A_1006 = tpu.memref_slice %arg5[%add3A_999, %dma_wait3A_1005] : memref<128x200xi32, #tpu.memory_space<vmem>> -> memref<1x128xi32, #tpu.memory_space<vmem>>
      %dma_wait3A_1007 = tpu.memref_squeeze %dma_wait3A_1006 : memref<1x128xi32, #tpu.memory_space<vmem>> -> memref<128xi32, #tpu.memory_space<vmem>>
      %dma_wait3A_1008 = arith.constant 0 : i32
      %dma_wait3A_1009 = arith.constant 0 : i32
      %dma_wait3A_1010 = tpu.memref_slice %arg2[%dma_wait3A_1008, %dma_wait3A_1009] : memref<2000000x64xf32, #tpu.memory_space<hbm>> -> memref<2000000x64xf32, #tpu.memory_space<hbm>>
      tpu.wait_indirect_dma semaphore(%arg17 : memref<!tpu.dma_semaphore, #tpu.memory_space<semaphore_mem>>) src(%dma_wait3A_1010 : memref<2000000x64xf32, #tpu.memory_space<hbm>>) dst(%dma_wait3A_1004 : memref<128x64xf32, #tpu.memory_space<vmem>>)
      %dma_wait3A_1011 = arith.constant 0 : i32
      %dma_wait3A_1012 = arith.constant 128 : i32
      %dma_wait3A_1013 = arith.constant 0 : i32
      %dma_wait3A_1014 = tpu.memref_slice %arg9[%dma_wait3A_1011, %dma_wait3A_1012, %dma_wait3A_1013] : memref<1x200x64xf32, #tpu.memory_space<vmem>> -> memref<1x72x64xf32, #tpu.memory_space<vmem>>
      %dma_wait3A_1015 = tpu.memref_squeeze %dma_wait3A_1014 : memref<1x72x64xf32, #tpu.memory_space<vmem>> -> memref<72x64xf32, #tpu.memory_space<vmem>>
      %dma_wait3A_1016 = arith.constant 128 : i32
      %dma_wait3A_1017 = tpu.memref_slice %arg5[%add3A_999, %dma_wait3A_1016] : memref<128x200xi32, #tpu.memory_space<vmem>> -> memref<1x72xi32, #tpu.memory_space<vmem>>
      %dma_wait3A_1018 = tpu.memref_squeeze %dma_wait3A_1017 : memref<1x72xi32, #tpu.memory_space<vmem>> -> memref<72xi32, #tpu.memory_space<vmem>>
      %dma_wait3A_1019 = arith.constant 0 : i32
      %dma_wait3A_1020 = arith.constant 0 : i32
      %dma_wait3A_1021 = tpu.memref_slice %arg2[%dma_wait3A_1019, %dma_wait3A_1020] : memref<2000000x64xf32, #tpu.memory_space<hbm>> -> memref<2000000x64xf32, #tpu.memory_space<hbm>>
      tpu.wait_indirect_dma semaphore(%arg17 : memref<!tpu.dma_semaphore, #tpu.memory_space<semaphore_mem>>) src(%dma_wait3A_1021 : memref<2000000x64xf32, #tpu.memory_space<hbm>>) dst(%dma_wait3A_1015 : memref<72x64xf32, #tpu.memory_space<vmem>>)
      %add3A_1022 = arith.addi %mul3A_2, %add3A_999 : i32
      %dma_start3A_1023 = arith.constant 0 : i32
      %dma_start3A_1024 = arith.constant 0 : i32
      %dma_start3A_1025 = tpu.memref_slice %arg4[%add3A_1022, %dma_start3A_1023, %dma_start3A_1024] : memref<4096x200x128xf32, #tpu.memory_space<hbm>> -> memref<1x200x64xf32, #tpu.memory_space<hbm>>
      %dma_start3A_1026 = arith.constant 0 : i32
      %dma_start3A_1027 = arith.constant 0 : i32
      %dma_start3A_1028 = tpu.memref_slice %arg4[%add3A_1022, %dma_start3A_1026, %dma_start3A_1027] : memref<4096x200x128xf32, #tpu.memory_space<hbm>> -> memref<1x200x64xf32, #tpu.memory_space<hbm>>
      tpu.enqueue_dma source(%arg9 : memref<1x200x64xf32, #tpu.memory_space<vmem>>) target(%dma_start3A_1028 : memref<1x200x64xf32, #tpu.memory_space<hbm>>) target_semaphore(%arg25 : memref<!tpu.dma_semaphore, #tpu.memory_space<semaphore_mem>>)
      %add3A_1029 = arith.constant 4 : i32
      %add3A_1030 = arith.addi %add3A_999, %add3A_1029 : i32
      %sub3A_1031 = arith.constant 8 : i32
      %sub3A_1032 = arith.subi %add3A_1030, %sub3A_1031 : i32
      %add3A_1033 = arith.addi %mul3A_2, %sub3A_1032 : i32
      %dma_wait3A_1034 = arith.constant 0 : i32
      %dma_wait3A_1035 = arith.constant 0 : i32
      %dma_wait3A_1036 = tpu.memref_slice %arg4[%add3A_1033, %dma_wait3A_1034, %dma_wait3A_1035] : memref<4096x200x128xf32, #tpu.memory_space<hbm>> -> memref<1x200x64xf32, #tpu.memory_space<hbm>>
      %dma_wait3A_1037 = arith.constant 0 : i32
      %dma_wait3A_1038 = arith.constant 0 : i32
      %dma_wait3A_1039 = tpu.memref_slice %arg4[%add3A_1033, %dma_wait3A_1037, %dma_wait3A_1038] : memref<4096x200x128xf32, #tpu.memory_space<hbm>> -> memref<1x200x64xf32, #tpu.memory_space<hbm>>
      tpu.wait_dma2 semaphore(%arg29 : memref<!tpu.dma_semaphore, #tpu.memory_space<semaphore_mem>>) src(%arg13 : memref<1x200x64xf32, #tpu.memory_space<vmem>>) dst(%dma_wait3A_1039 : memref<1x200x64xf32, #tpu.memory_space<hbm>>)
      %dma_start3A_1040 = arith.constant 0 : i32
      %dma_start3A_1041 = arith.constant 0 : i32
      %dma_start3A_1042 = arith.constant 0 : i32
      %dma_start3A_1043 = tpu.memref_slice %arg13[%dma_start3A_1040, %dma_start3A_1041, %dma_start3A_1042] : memref<1x200x64xf32, #tpu.memory_space<vmem>> -> memref<1x128x64xf32, #tpu.memory_space<vmem>>
      %dma_start3A_1044 = tpu.memref_squeeze %dma_start3A_1043 : memref<1x128x64xf32, #tpu.memory_space<vmem>> -> memref<128x64xf32, #tpu.memory_space<vmem>>
      %dma_start3A_1045 = arith.constant 0 : i32
      %dma_start3A_1046 = tpu.memref_slice %arg5[%add3A_1030, %dma_start3A_1045] : memref<128x200xi32, #tpu.memory_space<vmem>> -> memref<1x128xi32, #tpu.memory_space<vmem>>
      %dma_start3A_1047 = tpu.memref_squeeze %dma_start3A_1046 : memref<1x128xi32, #tpu.memory_space<vmem>> -> memref<128xi32, #tpu.memory_space<vmem>>
      %dma_start3A_1048 = arith.constant 0 : i32
      %dma_start3A_1049 = arith.constant 0 : i32
      %dma_start3A_1050 = tpu.memref_slice %arg2[%dma_start3A_1048, %dma_start3A_1049] : memref<2000000x64xf32, #tpu.memory_space<hbm>> -> memref<2000000x64xf32, #tpu.memory_space<hbm>>
      tpu.enqueue_indirect_dma source(%dma_start3A_1050 : memref<2000000x64xf32, #tpu.memory_space<hbm>>) target(%dma_start3A_1044 : memref<128x64xf32, #tpu.memory_space<vmem>>) offsets(%dma_start3A_1047 : memref<128xi32, #tpu.memory_space<vmem>>) semaphore(%arg21 : memref<!tpu.dma_semaphore, #tpu.memory_space<semaphore_mem>>)
      %dma_start3A_1051 = arith.constant 0 : i32
      %dma_start3A_1052 = arith.constant 128 : i32
      %dma_start3A_1053 = arith.constant 0 : i32
      %dma_start3A_1054 = tpu.memref_slice %arg13[%dma_start3A_1051, %dma_start3A_1052, %dma_start3A_1053] : memref<1x200x64xf32, #tpu.memory_space<vmem>> -> memref<1x72x64xf32, #tpu.memory_space<vmem>>
      %dma_start3A_1055 = tpu.memref_squeeze %dma_start3A_1054 : memref<1x72x64xf32, #tpu.memory_space<vmem>> -> memref<72x64xf32, #tpu.memory_space<vmem>>
      %dma_start3A_1056 = arith.constant 128 : i32
      %dma_start3A_1057 = tpu.memref_slice %arg5[%add3A_1030, %dma_start3A_1056] : memref<128x200xi32, #tpu.memory_space<vmem>> -> memref<1x72xi32, #tpu.memory_space<vmem>>
      %dma_start3A_1058 = tpu.memref_squeeze %dma_start3A_1057 : memref<1x72xi32, #tpu.memory_space<vmem>> -> memref<72xi32, #tpu.memory_space<vmem>>
      %dma_start3A_1059 = arith.constant 0 : i32
      %dma_start3A_1060 = arith.constant 0 : i32
      %dma_start3A_1061 = tpu.memref_slice %arg2[%dma_start3A_1059, %dma_start3A_1060] : memref<2000000x64xf32, #tpu.memory_space<hbm>> -> memref<2000000x64xf32, #tpu.memory_space<hbm>>
      tpu.enqueue_indirect_dma source(%dma_start3A_1061 : memref<2000000x64xf32, #tpu.memory_space<hbm>>) target(%dma_start3A_1055 : memref<72x64xf32, #tpu.memory_space<vmem>>) offsets(%dma_start3A_1058 : memref<72xi32, #tpu.memory_space<vmem>>) semaphore(%arg21 : memref<!tpu.dma_semaphore, #tpu.memory_space<semaphore_mem>>)
    }
    %scan3A_325 = arith.constant 15 : i32
    %dma_wait3A_326 = arith.constant 124 : i32
    %dma_wait3A_327 = arith.constant 0 : i32
    %dma_wait3A_328 = arith.constant 0 : i32
    %dma_wait3A_329 = arith.constant 0 : i32
    %dma_wait3A_330 = tpu.memref_slice %arg10[%dma_wait3A_327, %dma_wait3A_328, %dma_wait3A_329] : memref<1x200x64xf32, #tpu.memory_space<vmem>> -> memref<1x128x64xf32, #tpu.memory_space<vmem>>
    %dma_wait3A_331 = tpu.memref_squeeze %dma_wait3A_330 : memref<1x128x64xf32, #tpu.memory_space<vmem>> -> memref<128x64xf32, #tpu.memory_space<vmem>>
    %dma_wait3A_332 = arith.constant 0 : i32
    %dma_wait3A_333 = tpu.memref_slice %arg5[%dma_wait3A_326, %dma_wait3A_332] : memref<128x200xi32, #tpu.memory_space<vmem>> -> memref<1x128xi32, #tpu.memory_space<vmem>>
    %dma_wait3A_334 = tpu.memref_squeeze %dma_wait3A_333 : memref<1x128xi32, #tpu.memory_space<vmem>> -> memref<128xi32, #tpu.memory_space<vmem>>
    %dma_wait3A_335 = arith.constant 0 : i32
    %dma_wait3A_336 = arith.constant 0 : i32
    %dma_wait3A_337 = tpu.memref_slice %arg2[%dma_wait3A_335, %dma_wait3A_336] : memref<2000000x64xf32, #tpu.memory_space<hbm>> -> memref<2000000x64xf32, #tpu.memory_space<hbm>>
    tpu.wait_indirect_dma semaphore(%arg18 : memref<!tpu.dma_semaphore, #tpu.memory_space<semaphore_mem>>) src(%dma_wait3A_337 : memref<2000000x64xf32, #tpu.memory_space<hbm>>) dst(%dma_wait3A_331 : memref<128x64xf32, #tpu.memory_space<vmem>>)
    %dma_wait3A_338 = arith.constant 124 : i32
    %dma_wait3A_339 = arith.constant 0 : i32
    %dma_wait3A_340 = arith.constant 128 : i32
    %dma_wait3A_341 = arith.constant 0 : i32
    %dma_wait3A_342 = tpu.memref_slice %arg10[%dma_wait3A_339, %dma_wait3A_340, %dma_wait3A_341] : memref<1x200x64xf32, #tpu.memory_space<vmem>> -> memref<1x72x64xf32, #tpu.memory_space<vmem>>
    %dma_wait3A_343 = tpu.memref_squeeze %dma_wait3A_342 : memref<1x72x64xf32, #tpu.memory_space<vmem>> -> memref<72x64xf32, #tpu.memory_space<vmem>>
    %dma_wait3A_344 = arith.constant 128 : i32
    %dma_wait3A_345 = tpu.memref_slice %arg5[%dma_wait3A_338, %dma_wait3A_344] : memref<128x200xi32, #tpu.memory_space<vmem>> -> memref<1x72xi32, #tpu.memory_space<vmem>>
    %dma_wait3A_346 = tpu.memref_squeeze %dma_wait3A_345 : memref<1x72xi32, #tpu.memory_space<vmem>> -> memref<72xi32, #tpu.memory_space<vmem>>
    %dma_wait3A_347 = arith.constant 0 : i32
    %dma_wait3A_348 = arith.constant 0 : i32
    %dma_wait3A_349 = tpu.memref_slice %arg2[%dma_wait3A_347, %dma_wait3A_348] : memref<2000000x64xf32, #tpu.memory_space<hbm>> -> memref<2000000x64xf32, #tpu.memory_space<hbm>>
    tpu.wait_indirect_dma semaphore(%arg18 : memref<!tpu.dma_semaphore, #tpu.memory_space<semaphore_mem>>) src(%dma_wait3A_349 : memref<2000000x64xf32, #tpu.memory_space<hbm>>) dst(%dma_wait3A_343 : memref<72x64xf32, #tpu.memory_space<vmem>>)
    %add3A_350 = arith.constant 124 : i32
    %add3A_351 = arith.addi %mul3A_2, %add3A_350 : i32
    %dma_start3A_352 = arith.constant 0 : i32
    %dma_start3A_353 = arith.constant 0 : i32
    %dma_start3A_354 = tpu.memref_slice %arg4[%add3A_351, %dma_start3A_352, %dma_start3A_353] : memref<4096x200x128xf32, #tpu.memory_space<hbm>> -> memref<1x200x64xf32, #tpu.memory_space<hbm>>
    %dma_start3A_355 = arith.constant 0 : i32
    %dma_start3A_356 = arith.constant 0 : i32
    %dma_start3A_357 = tpu.memref_slice %arg4[%add3A_351, %dma_start3A_355, %dma_start3A_356] : memref<4096x200x128xf32, #tpu.memory_space<hbm>> -> memref<1x200x64xf32, #tpu.memory_space<hbm>>
    tpu.enqueue_dma source(%arg10 : memref<1x200x64xf32, #tpu.memory_space<vmem>>) target(%dma_start3A_357 : memref<1x200x64xf32, #tpu.memory_space<hbm>>) target_semaphore(%arg26 : memref<!tpu.dma_semaphore, #tpu.memory_space<semaphore_mem>>)
    %dma_wait3A_358 = arith.constant 125 : i32
    %dma_wait3A_359 = arith.constant 0 : i32
    %dma_wait3A_360 = arith.constant 0 : i32
    %dma_wait3A_361 = arith.constant 0 : i32
    %dma_wait3A_362 = tpu.memref_slice %arg11[%dma_wait3A_359, %dma_wait3A_360, %dma_wait3A_361] : memref<1x200x64xf32, #tpu.memory_space<vmem>> -> memref<1x128x64xf32, #tpu.memory_space<vmem>>
    %dma_wait3A_363 = tpu.memref_squeeze %dma_wait3A_362 : memref<1x128x64xf32, #tpu.memory_space<vmem>> -> memref<128x64xf32, #tpu.memory_space<vmem>>
    %dma_wait3A_364 = arith.constant 0 : i32
    %dma_wait3A_365 = tpu.memref_slice %arg5[%dma_wait3A_358, %dma_wait3A_364] : memref<128x200xi32, #tpu.memory_space<vmem>> -> memref<1x128xi32, #tpu.memory_space<vmem>>
    %dma_wait3A_366 = tpu.memref_squeeze %dma_wait3A_365 : memref<1x128xi32, #tpu.memory_space<vmem>> -> memref<128xi32, #tpu.memory_space<vmem>>
    %dma_wait3A_367 = arith.constant 0 : i32
    %dma_wait3A_368 = arith.constant 0 : i32
    %dma_wait3A_369 = tpu.memref_slice %arg2[%dma_wait3A_367, %dma_wait3A_368] : memref<2000000x64xf32, #tpu.memory_space<hbm>> -> memref<2000000x64xf32, #tpu.memory_space<hbm>>
    tpu.wait_indirect_dma semaphore(%arg19 : memref<!tpu.dma_semaphore, #tpu.memory_space<semaphore_mem>>) src(%dma_wait3A_369 : memref<2000000x64xf32, #tpu.memory_space<hbm>>) dst(%dma_wait3A_363 : memref<128x64xf32, #tpu.memory_space<vmem>>)
    %dma_wait3A_370 = arith.constant 125 : i32
    %dma_wait3A_371 = arith.constant 0 : i32
    %dma_wait3A_372 = arith.constant 128 : i32
    %dma_wait3A_373 = arith.constant 0 : i32
    %dma_wait3A_374 = tpu.memref_slice %arg11[%dma_wait3A_371, %dma_wait3A_372, %dma_wait3A_373] : memref<1x200x64xf32, #tpu.memory_space<vmem>> -> memref<1x72x64xf32, #tpu.memory_space<vmem>>
    %dma_wait3A_375 = tpu.memref_squeeze %dma_wait3A_374 : memref<1x72x64xf32, #tpu.memory_space<vmem>> -> memref<72x64xf32, #tpu.memory_space<vmem>>
    %dma_wait3A_376 = arith.constant 128 : i32
    %dma_wait3A_377 = tpu.memref_slice %arg5[%dma_wait3A_370, %dma_wait3A_376] : memref<128x200xi32, #tpu.memory_space<vmem>> -> memref<1x72xi32, #tpu.memory_space<vmem>>
    %dma_wait3A_378 = tpu.memref_squeeze %dma_wait3A_377 : memref<1x72xi32, #tpu.memory_space<vmem>> -> memref<72xi32, #tpu.memory_space<vmem>>
    %dma_wait3A_379 = arith.constant 0 : i32
    %dma_wait3A_380 = arith.constant 0 : i32
    %dma_wait3A_381 = tpu.memref_slice %arg2[%dma_wait3A_379, %dma_wait3A_380] : memref<2000000x64xf32, #tpu.memory_space<hbm>> -> memref<2000000x64xf32, #tpu.memory_space<hbm>>
    tpu.wait_indirect_dma semaphore(%arg19 : memref<!tpu.dma_semaphore, #tpu.memory_space<semaphore_mem>>) src(%dma_wait3A_381 : memref<2000000x64xf32, #tpu.memory_space<hbm>>) dst(%dma_wait3A_375 : memref<72x64xf32, #tpu.memory_space<vmem>>)
    %add3A_382 = arith.constant 125 : i32
    %add3A_383 = arith.addi %mul3A_2, %add3A_382 : i32
    %dma_start3A_384 = arith.constant 0 : i32
    %dma_start3A_385 = arith.constant 0 : i32
    %dma_start3A_386 = tpu.memref_slice %arg4[%add3A_383, %dma_start3A_384, %dma_start3A_385] : memref<4096x200x128xf32, #tpu.memory_space<hbm>> -> memref<1x200x64xf32, #tpu.memory_space<hbm>>
    %dma_start3A_387 = arith.constant 0 : i32
    %dma_start3A_388 = arith.constant 0 : i32
    %dma_start3A_389 = tpu.memref_slice %arg4[%add3A_383, %dma_start3A_387, %dma_start3A_388] : memref<4096x200x128xf32, #tpu.memory_space<hbm>> -> memref<1x200x64xf32, #tpu.memory_space<hbm>>
    tpu.enqueue_dma source(%arg11 : memref<1x200x64xf32, #tpu.memory_space<vmem>>) target(%dma_start3A_389 : memref<1x200x64xf32, #tpu.memory_space<hbm>>) target_semaphore(%arg27 : memref<!tpu.dma_semaphore, #tpu.memory_space<semaphore_mem>>)
    %dma_wait3A_390 = arith.constant 126 : i32
    %dma_wait3A_391 = arith.constant 0 : i32
    %dma_wait3A_392 = arith.constant 0 : i32
    %dma_wait3A_393 = arith.constant 0 : i32
    %dma_wait3A_394 = tpu.memref_slice %arg12[%dma_wait3A_391, %dma_wait3A_392, %dma_wait3A_393] : memref<1x200x64xf32, #tpu.memory_space<vmem>> -> memref<1x128x64xf32, #tpu.memory_space<vmem>>
    %dma_wait3A_395 = tpu.memref_squeeze %dma_wait3A_394 : memref<1x128x64xf32, #tpu.memory_space<vmem>> -> memref<128x64xf32, #tpu.memory_space<vmem>>
    %dma_wait3A_396 = arith.constant 0 : i32
    %dma_wait3A_397 = tpu.memref_slice %arg5[%dma_wait3A_390, %dma_wait3A_396] : memref<128x200xi32, #tpu.memory_space<vmem>> -> memref<1x128xi32, #tpu.memory_space<vmem>>
    %dma_wait3A_398 = tpu.memref_squeeze %dma_wait3A_397 : memref<1x128xi32, #tpu.memory_space<vmem>> -> memref<128xi32, #tpu.memory_space<vmem>>
    %dma_wait3A_399 = arith.constant 0 : i32
    %dma_wait3A_400 = arith.constant 0 : i32
    %dma_wait3A_401 = tpu.memref_slice %arg2[%dma_wait3A_399, %dma_wait3A_400] : memref<2000000x64xf32, #tpu.memory_space<hbm>> -> memref<2000000x64xf32, #tpu.memory_space<hbm>>
    tpu.wait_indirect_dma semaphore(%arg20 : memref<!tpu.dma_semaphore, #tpu.memory_space<semaphore_mem>>) src(%dma_wait3A_401 : memref<2000000x64xf32, #tpu.memory_space<hbm>>) dst(%dma_wait3A_395 : memref<128x64xf32, #tpu.memory_space<vmem>>)
    %dma_wait3A_402 = arith.constant 126 : i32
    %dma_wait3A_403 = arith.constant 0 : i32
    %dma_wait3A_404 = arith.constant 128 : i32
    %dma_wait3A_405 = arith.constant 0 : i32
    %dma_wait3A_406 = tpu.memref_slice %arg12[%dma_wait3A_403, %dma_wait3A_404, %dma_wait3A_405] : memref<1x200x64xf32, #tpu.memory_space<vmem>> -> memref<1x72x64xf32, #tpu.memory_space<vmem>>
    %dma_wait3A_407 = tpu.memref_squeeze %dma_wait3A_406 : memref<1x72x64xf32, #tpu.memory_space<vmem>> -> memref<72x64xf32, #tpu.memory_space<vmem>>
    %dma_wait3A_408 = arith.constant 128 : i32
    %dma_wait3A_409 = tpu.memref_slice %arg5[%dma_wait3A_402, %dma_wait3A_408] : memref<128x200xi32, #tpu.memory_space<vmem>> -> memref<1x72xi32, #tpu.memory_space<vmem>>
    %dma_wait3A_410 = tpu.memref_squeeze %dma_wait3A_409 : memref<1x72xi32, #tpu.memory_space<vmem>> -> memref<72xi32, #tpu.memory_space<vmem>>
    %dma_wait3A_411 = arith.constant 0 : i32
    %dma_wait3A_412 = arith.constant 0 : i32
    %dma_wait3A_413 = tpu.memref_slice %arg2[%dma_wait3A_411, %dma_wait3A_412] : memref<2000000x64xf32, #tpu.memory_space<hbm>> -> memref<2000000x64xf32, #tpu.memory_space<hbm>>
    tpu.wait_indirect_dma semaphore(%arg20 : memref<!tpu.dma_semaphore, #tpu.memory_space<semaphore_mem>>) src(%dma_wait3A_413 : memref<2000000x64xf32, #tpu.memory_space<hbm>>) dst(%dma_wait3A_407 : memref<72x64xf32, #tpu.memory_space<vmem>>)
    %add3A_414 = arith.constant 126 : i32
    %add3A_415 = arith.addi %mul3A_2, %add3A_414 : i32
    %dma_start3A_416 = arith.constant 0 : i32
    %dma_start3A_417 = arith.constant 0 : i32
    %dma_start3A_418 = tpu.memref_slice %arg4[%add3A_415, %dma_start3A_416, %dma_start3A_417] : memref<4096x200x128xf32, #tpu.memory_space<hbm>> -> memref<1x200x64xf32, #tpu.memory_space<hbm>>
    %dma_start3A_419 = arith.constant 0 : i32
    %dma_start3A_420 = arith.constant 0 : i32
    %dma_start3A_421 = tpu.memref_slice %arg4[%add3A_415, %dma_start3A_419, %dma_start3A_420] : memref<4096x200x128xf32, #tpu.memory_space<hbm>> -> memref<1x200x64xf32, #tpu.memory_space<hbm>>
    tpu.enqueue_dma source(%arg12 : memref<1x200x64xf32, #tpu.memory_space<vmem>>) target(%dma_start3A_421 : memref<1x200x64xf32, #tpu.memory_space<hbm>>) target_semaphore(%arg28 : memref<!tpu.dma_semaphore, #tpu.memory_space<semaphore_mem>>)
    %dma_wait3A_422 = arith.constant 127 : i32
    %dma_wait3A_423 = arith.constant 0 : i32
    %dma_wait3A_424 = arith.constant 0 : i32
    %dma_wait3A_425 = arith.constant 0 : i32
    %dma_wait3A_426 = tpu.memref_slice %arg13[%dma_wait3A_423, %dma_wait3A_424, %dma_wait3A_425] : memref<1x200x64xf32, #tpu.memory_space<vmem>> -> memref<1x128x64xf32, #tpu.memory_space<vmem>>
    %dma_wait3A_427 = tpu.memref_squeeze %dma_wait3A_426 : memref<1x128x64xf32, #tpu.memory_space<vmem>> -> memref<128x64xf32, #tpu.memory_space<vmem>>
    %dma_wait3A_428 = arith.constant 0 : i32
    %dma_wait3A_429 = tpu.memref_slice %arg5[%dma_wait3A_422, %dma_wait3A_428] : memref<128x200xi32, #tpu.memory_space<vmem>> -> memref<1x128xi32, #tpu.memory_space<vmem>>
    %dma_wait3A_430 = tpu.memref_squeeze %dma_wait3A_429 : memref<1x128xi32, #tpu.memory_space<vmem>> -> memref<128xi32, #tpu.memory_space<vmem>>
    %dma_wait3A_431 = arith.constant 0 : i32
    %dma_wait3A_432 = arith.constant 0 : i32
    %dma_wait3A_433 = tpu.memref_slice %arg2[%dma_wait3A_431, %dma_wait3A_432] : memref<2000000x64xf32, #tpu.memory_space<hbm>> -> memref<2000000x64xf32, #tpu.memory_space<hbm>>
    tpu.wait_indirect_dma semaphore(%arg21 : memref<!tpu.dma_semaphore, #tpu.memory_space<semaphore_mem>>) src(%dma_wait3A_433 : memref<2000000x64xf32, #tpu.memory_space<hbm>>) dst(%dma_wait3A_427 : memref<128x64xf32, #tpu.memory_space<vmem>>)
    %dma_wait3A_434 = arith.constant 127 : i32
    %dma_wait3A_435 = arith.constant 0 : i32
    %dma_wait3A_436 = arith.constant 128 : i32
    %dma_wait3A_437 = arith.constant 0 : i32
    %dma_wait3A_438 = tpu.memref_slice %arg13[%dma_wait3A_435, %dma_wait3A_436, %dma_wait3A_437] : memref<1x200x64xf32, #tpu.memory_space<vmem>> -> memref<1x72x64xf32, #tpu.memory_space<vmem>>
    %dma_wait3A_439 = tpu.memref_squeeze %dma_wait3A_438 : memref<1x72x64xf32, #tpu.memory_space<vmem>> -> memref<72x64xf32, #tpu.memory_space<vmem>>
    %dma_wait3A_440 = arith.constant 128 : i32
    %dma_wait3A_441 = tpu.memref_slice %arg5[%dma_wait3A_434, %dma_wait3A_440] : memref<128x200xi32, #tpu.memory_space<vmem>> -> memref<1x72xi32, #tpu.memory_space<vmem>>
    %dma_wait3A_442 = tpu.memref_squeeze %dma_wait3A_441 : memref<1x72xi32, #tpu.memory_space<vmem>> -> memref<72xi32, #tpu.memory_space<vmem>>
    %dma_wait3A_443 = arith.constant 0 : i32
    %dma_wait3A_444 = arith.constant 0 : i32
    %dma_wait3A_445 = tpu.memref_slice %arg2[%dma_wait3A_443, %dma_wait3A_444] : memref<2000000x64xf32, #tpu.memory_space<hbm>> -> memref<2000000x64xf32, #tpu.memory_space<hbm>>
    tpu.wait_indirect_dma semaphore(%arg21 : memref<!tpu.dma_semaphore, #tpu.memory_space<semaphore_mem>>) src(%dma_wait3A_445 : memref<2000000x64xf32, #tpu.memory_space<hbm>>) dst(%dma_wait3A_439 : memref<72x64xf32, #tpu.memory_space<vmem>>)
    %add3A_446 = arith.constant 127 : i32
    %add3A_447 = arith.addi %mul3A_2, %add3A_446 : i32
    %dma_start3A_448 = arith.constant 0 : i32
    %dma_start3A_449 = arith.constant 0 : i32
    %dma_start3A_450 = tpu.memref_slice %arg4[%add3A_447, %dma_start3A_448, %dma_start3A_449] : memref<4096x200x128xf32, #tpu.memory_space<hbm>> -> memref<1x200x64xf32, #tpu.memory_space<hbm>>
    %dma_start3A_451 = arith.constant 0 : i32
    %dma_start3A_452 = arith.constant 0 : i32
    %dma_start3A_453 = tpu.memref_slice %arg4[%add3A_447, %dma_start3A_451, %dma_start3A_452] : memref<4096x200x128xf32, #tpu.memory_space<hbm>> -> memref<1x200x64xf32, #tpu.memory_space<hbm>>
    tpu.enqueue_dma source(%arg13 : memref<1x200x64xf32, #tpu.memory_space<vmem>>) target(%dma_start3A_453 : memref<1x200x64xf32, #tpu.memory_space<hbm>>) target_semaphore(%arg29 : memref<!tpu.dma_semaphore, #tpu.memory_space<semaphore_mem>>)
    %add3A_454 = arith.constant 120 : i32
    %add3A_455 = arith.addi %mul3A_2, %add3A_454 : i32
    %dma_wait3A_456 = arith.constant 0 : i32
    %dma_wait3A_457 = arith.constant 0 : i32
    %dma_wait3A_458 = tpu.memref_slice %arg4[%add3A_455, %dma_wait3A_456, %dma_wait3A_457] : memref<4096x200x128xf32, #tpu.memory_space<hbm>> -> memref<1x200x64xf32, #tpu.memory_space<hbm>>
    %dma_wait3A_459 = arith.constant 0 : i32
    %dma_wait3A_460 = arith.constant 0 : i32
    %dma_wait3A_461 = tpu.memref_slice %arg4[%add3A_455, %dma_wait3A_459, %dma_wait3A_460] : memref<4096x200x128xf32, #tpu.memory_space<hbm>> -> memref<1x200x64xf32, #tpu.memory_space<hbm>>
    tpu.wait_dma2 semaphore(%arg22 : memref<!tpu.dma_semaphore, #tpu.memory_space<semaphore_mem>>) src(%arg6 : memref<1x200x64xf32, #tpu.memory_space<vmem>>) dst(%dma_wait3A_461 : memref<1x200x64xf32, #tpu.memory_space<hbm>>)
    %add3A_462 = arith.constant 121 : i32
    %add3A_463 = arith.addi %mul3A_2, %add3A_462 : i32
    %dma_wait3A_464 = arith.constant 0 : i32
    %dma_wait3A_465 = arith.constant 0 : i32
    %dma_wait3A_466 = tpu.memref_slice %arg4[%add3A_463, %dma_wait3A_464, %dma_wait3A_465] : memref<4096x200x128xf32, #tpu.memory_space<hbm>> -> memref<1x200x64xf32, #tpu.memory_space<hbm>>
    %dma_wait3A_467 = arith.constant 0 : i32
    %dma_wait3A_468 = arith.constant 0 : i32
    %dma_wait3A_469 = tpu.memref_slice %arg4[%add3A_463, %dma_wait3A_467, %dma_wait3A_468] : memref<4096x200x128xf32, #tpu.memory_space<hbm>> -> memref<1x200x64xf32, #tpu.memory_space<hbm>>
    tpu.wait_dma2 semaphore(%arg23 : memref<!tpu.dma_semaphore, #tpu.memory_space<semaphore_mem>>) src(%arg7 : memref<1x200x64xf32, #tpu.memory_space<vmem>>) dst(%dma_wait3A_469 : memref<1x200x64xf32, #tpu.memory_space<hbm>>)
    %add3A_470 = arith.constant 122 : i32
    %add3A_471 = arith.addi %mul3A_2, %add3A_470 : i32
    %dma_wait3A_472 = arith.constant 0 : i32
    %dma_wait3A_473 = arith.constant 0 : i32
    %dma_wait3A_474 = tpu.memref_slice %arg4[%add3A_471, %dma_wait3A_472, %dma_wait3A_473] : memref<4096x200x128xf32, #tpu.memory_space<hbm>> -> memref<1x200x64xf32, #tpu.memory_space<hbm>>
    %dma_wait3A_475 = arith.constant 0 : i32
    %dma_wait3A_476 = arith.constant 0 : i32
    %dma_wait3A_477 = tpu.memref_slice %arg4[%add3A_471, %dma_wait3A_475, %dma_wait3A_476] : memref<4096x200x128xf32, #tpu.memory_space<hbm>> -> memref<1x200x64xf32, #tpu.memory_space<hbm>>
    tpu.wait_dma2 semaphore(%arg24 : memref<!tpu.dma_semaphore, #tpu.memory_space<semaphore_mem>>) src(%arg8 : memref<1x200x64xf32, #tpu.memory_space<vmem>>) dst(%dma_wait3A_477 : memref<1x200x64xf32, #tpu.memory_space<hbm>>)
    %add3A_478 = arith.constant 123 : i32
    %add3A_479 = arith.addi %mul3A_2, %add3A_478 : i32
    %dma_wait3A_480 = arith.constant 0 : i32
    %dma_wait3A_481 = arith.constant 0 : i32
    %dma_wait3A_482 = tpu.memref_slice %arg4[%add3A_479, %dma_wait3A_480, %dma_wait3A_481] : memref<4096x200x128xf32, #tpu.memory_space<hbm>> -> memref<1x200x64xf32, #tpu.memory_space<hbm>>
    %dma_wait3A_483 = arith.constant 0 : i32
    %dma_wait3A_484 = arith.constant 0 : i32
    %dma_wait3A_485 = tpu.memref_slice %arg4[%add3A_479, %dma_wait3A_483, %dma_wait3A_484] : memref<4096x200x128xf32, #tpu.memory_space<hbm>> -> memref<1x200x64xf32, #tpu.memory_space<hbm>>
    tpu.wait_dma2 semaphore(%arg25 : memref<!tpu.dma_semaphore, #tpu.memory_space<semaphore_mem>>) src(%arg9 : memref<1x200x64xf32, #tpu.memory_space<vmem>>) dst(%dma_wait3A_485 : memref<1x200x64xf32, #tpu.memory_space<hbm>>)
    %add3A_486 = arith.constant 124 : i32
    %add3A_487 = arith.addi %mul3A_2, %add3A_486 : i32
    %dma_wait3A_488 = arith.constant 0 : i32
    %dma_wait3A_489 = arith.constant 0 : i32
    %dma_wait3A_490 = tpu.memref_slice %arg4[%add3A_487, %dma_wait3A_488, %dma_wait3A_489] : memref<4096x200x128xf32, #tpu.memory_space<hbm>> -> memref<1x200x64xf32, #tpu.memory_space<hbm>>
    %dma_wait3A_491 = arith.constant 0 : i32
    %dma_wait3A_492 = arith.constant 0 : i32
    %dma_wait3A_493 = tpu.memref_slice %arg4[%add3A_487, %dma_wait3A_491, %dma_wait3A_492] : memref<4096x200x128xf32, #tpu.memory_space<hbm>> -> memref<1x200x64xf32, #tpu.memory_space<hbm>>
    tpu.wait_dma2 semaphore(%arg26 : memref<!tpu.dma_semaphore, #tpu.memory_space<semaphore_mem>>) src(%arg10 : memref<1x200x64xf32, #tpu.memory_space<vmem>>) dst(%dma_wait3A_493 : memref<1x200x64xf32, #tpu.memory_space<hbm>>)
    %add3A_494 = arith.constant 125 : i32
    %add3A_495 = arith.addi %mul3A_2, %add3A_494 : i32
    %dma_wait3A_496 = arith.constant 0 : i32
    %dma_wait3A_497 = arith.constant 0 : i32
    %dma_wait3A_498 = tpu.memref_slice %arg4[%add3A_495, %dma_wait3A_496, %dma_wait3A_497] : memref<4096x200x128xf32, #tpu.memory_space<hbm>> -> memref<1x200x64xf32, #tpu.memory_space<hbm>>
    %dma_wait3A_499 = arith.constant 0 : i32
    %dma_wait3A_500 = arith.constant 0 : i32
    %dma_wait3A_501 = tpu.memref_slice %arg4[%add3A_495, %dma_wait3A_499, %dma_wait3A_500] : memref<4096x200x128xf32, #tpu.memory_space<hbm>> -> memref<1x200x64xf32, #tpu.memory_space<hbm>>
    tpu.wait_dma2 semaphore(%arg27 : memref<!tpu.dma_semaphore, #tpu.memory_space<semaphore_mem>>) src(%arg11 : memref<1x200x64xf32, #tpu.memory_space<vmem>>) dst(%dma_wait3A_501 : memref<1x200x64xf32, #tpu.memory_space<hbm>>)
    %add3A_502 = arith.constant 126 : i32
    %add3A_503 = arith.addi %mul3A_2, %add3A_502 : i32
    %dma_wait3A_504 = arith.constant 0 : i32
    %dma_wait3A_505 = arith.constant 0 : i32
    %dma_wait3A_506 = tpu.memref_slice %arg4[%add3A_503, %dma_wait3A_504, %dma_wait3A_505] : memref<4096x200x128xf32, #tpu.memory_space<hbm>> -> memref<1x200x64xf32, #tpu.memory_space<hbm>>
    %dma_wait3A_507 = arith.constant 0 : i32
    %dma_wait3A_508 = arith.constant 0 : i32
    %dma_wait3A_509 = tpu.memref_slice %arg4[%add3A_503, %dma_wait3A_507, %dma_wait3A_508] : memref<4096x200x128xf32, #tpu.memory_space<hbm>> -> memref<1x200x64xf32, #tpu.memory_space<hbm>>
    tpu.wait_dma2 semaphore(%arg28 : memref<!tpu.dma_semaphore, #tpu.memory_space<semaphore_mem>>) src(%arg12 : memref<1x200x64xf32, #tpu.memory_space<vmem>>) dst(%dma_wait3A_509 : memref<1x200x64xf32, #tpu.memory_space<hbm>>)
    %add3A_510 = arith.constant 127 : i32
    %add3A_511 = arith.addi %mul3A_2, %add3A_510 : i32
    %dma_wait3A_512 = arith.constant 0 : i32
    %dma_wait3A_513 = arith.constant 0 : i32
    %dma_wait3A_514 = tpu.memref_slice %arg4[%add3A_511, %dma_wait3A_512, %dma_wait3A_513] : memref<4096x200x128xf32, #tpu.memory_space<hbm>> -> memref<1x200x64xf32, #tpu.memory_space<hbm>>
    %dma_wait3A_515 = arith.constant 0 : i32
    %dma_wait3A_516 = arith.constant 0 : i32
    %dma_wait3A_517 = tpu.memref_slice %arg4[%add3A_511, %dma_wait3A_515, %dma_wait3A_516] : memref<4096x200x128xf32, #tpu.memory_space<hbm>> -> memref<1x200x64xf32, #tpu.memory_space<hbm>>
    tpu.wait_dma2 semaphore(%arg29 : memref<!tpu.dma_semaphore, #tpu.memory_space<semaphore_mem>>) src(%arg13 : memref<1x200x64xf32, #tpu.memory_space<vmem>>) dst(%dma_wait3A_517 : memref<1x200x64xf32, #tpu.memory_space<hbm>>)
    return
  }
}

module attributes {stable_mosaic.version = 14 : i64} {
  func.func @body(%arg0: i32, %arg1: memref<64x32768xf32, #tpu.memory_space<vmem>>, %arg2: memref<32768x128xf32, #tpu.memory_space<vmem>>) attributes {dimension_semantics = [#tpu.dimension_semantics<arbitrary>], iteration_bounds = array<i64: 31>, scalar_prefetch = 0 : i64, scratch_operands = 0 : i64, tpu.core_type = #tpu.core_type<tc>, window_params = [{transform_indices = @transform_0, window_bounds = array<i64: 64, 32768>}, {transform_indices = @transform_1, window_bounds = array<i64: 32768, 128>}]} {
    %get3A = arith.constant 0 : index
    %get3A_0 = arith.constant 0 : index
    %get3A_1 = vector.load %arg1[%get3A, %get3A_0] : memref<64x32768xf32, #tpu.memory_space<vmem>>, vector<64x32768xf32>
    %transpose3A = tpu.transpose %get3A_1, [1, 0] : vector<64x32768xf32> -> vector<32768x64xf32>
    %swap3A = arith.constant 0 : index
    %swap3A_2 = arith.constant 0 : index
    %swap3A_3 = vector.load %arg2[%swap3A, %swap3A_2] : memref<32768x128xf32, #tpu.memory_space<vmem>>, vector<32768x64xf32>
    tpu.vector_store %arg2[%swap3A, %swap3A_2], %transpose3A {strides = array<i32>} : memref<32768x128xf32, #tpu.memory_space<vmem>>, vector<32768x64xf32>,
    %swap3A_4 = arith.constant 0 : index
    %swap3A_5 = arith.constant 64 : index
    %swap3A_6 = vector.load %arg2[%swap3A_4, %swap3A_5] : memref<32768x128xf32, #tpu.memory_space<vmem>>, vector<32768x64xf32>
    tpu.vector_store %arg2[%swap3A_4, %swap3A_5], %transpose3A {strides = array<i32>} : memref<32768x128xf32, #tpu.memory_space<vmem>>, vector<32768x64xf32>,
    return
  }
  func.func @transform_0(%arg0: i32) -> (i32, i32) {
    %c0_i32 = arith.constant 0 : i32
    %c0_i32_0 = arith.constant 0 : i32
    return %c0_i32, %arg0 : i32, i32
  }
  func.func @transform_1(%arg0: i32) -> (i32, i32) {
    %c0_i32 = arith.constant 0 : i32
    %c0_i32_0 = arith.constant 0 : i32
    return %arg0, %c0_i32 : i32, i32
  }
}

</mosaic_0001>

<sc_bundles>
// kernel: kernel.4.cloned.1.call-start
scs
__scs_entry_jumppad:
0x0: {  	(pc) =	sbr.rel $0x88, $3  }
0x1: {  	(tag) =	ssettag $0x0;
	lr =	simm.s32 $0x1  }
0x2: {  	[smem:$0x3F9F] =	sst lr;
	_ =	strace $0xD0000000  }
0x3: {  	_ = 	snop  }
0x4: {  	_ = 	snop  }
0x5: {  	_ = 	snop  }
0x6: {  	_ = 	snop  }
0x7: {  	_ = 	snop  }
__scs_overlays_trampoline_lowered:
0x8: {  	[smem:$0x3FAE] =	sst s0  }
0x9: {  	[smem:$0x3FAF] =	sst s1  }
0xa: {  	[smem:$0x3FB0] =	sst s2  }
0xb: {  	[smem:$0x3FB1] =	sst s3  }
0xc: {  	[smem:$0x3FB2] =	sst s4  }
0xd: {  	[smem:$0x3FB3] =	sst s5  }
0xe: {  	[smem:$0x3FB4] =	sst s6  }
0xf: {  	[smem:$0x3FB5] =	sst s7  }
0x10: {  	[smem:$0x3FB6] =	sst s8  }
0x11: {  	[smem:$0x3FB7] =	sst s9;
	s0 =	simm.s32 @!p0 $0x0  }
0x12: {  	s1 =	sld [smem:$0x3F9D];
	s0 =	simm.s32 @p0 $0x1  }
0x13: {  	[smem:$0x3FB8] =	sst s0;
	s0 =	simm.s32 @!p1 $0x0  }
0x14: {  	s2 =	sld [smem:$0x3F9C];
	s0 =	simm.s32 @p1 $0x1  }
0x15: {  	[smem:$0x3FB9] =	sst s0;
	s0 =	simm.s32 @!p2 $0x0  }
0x16: {  	s3 =	sld [smem:$0x3FDB];
	s0 =	simm.s32 @p2 $0x1  }
0x17: {  	s4 =	simm.s32 $0x1BF5;
	[smem:$0x3FBB] =	sst s0  }
0x18: {  	s0 =	sld [smem:$0x3F9E];
	_ =	swait.ge [sflag:s4], $0x0  }
0x19: {  	s7 =	sld [smem:$0x3F9F]  }
0x1a: {  	s8 =	sadd.s32 $0xFFFFE003, lr  }
0x1b: {  	s9 =	sadd.s32 $0xFFFFFEF7, lr;
	s5 =	simm.s32 $0xFFFFFFFF;
	p2 =	slt.u32 s8, $0xFFFFF086  }
0x1c: {  	p1 =	slt.u32 s9, $0xF7A;
	s5 =	simm.s32 @!p2 $0x0  }
0x1d: {  	s5 =	simm.s32 @p1 $0x1;
	p0 =	seq.s32 s7, s2  }
0x1e: {  	s7 =	smul.u32 @!p0 $0xF7A, s2;
	p2 =	seq.s32 @!p0 s5, $0x0  }
0x1f: {  	s9 =	smul.u32 $0xF7A, s1;
	s8 =	simm.s32 @!p0 $0x1BF5;
	p2 =	por !p2, p0  }
0x20: {  	[sflag:s8] =	ssyncset.s32 @!p0 $0xFFFFF086;
	s6 =	sadd.s32 @!p0 s3, s7;
	s7 =	simm.s32 @!p0 $0x108  }
0x21: {  	s3 =	sadd.s32 s3, s9;
	s6 =	sadd.s32 @!p0 $0x88, s6;
	s7 =	simm.s32 @p2 $0x1082  }
0x22: {  	[simem:s7], [sflag:s8] =	dma.local @!p0 [hbm:s6], $0xF7A  }
0x23: {  	s9 =	sor.u32 $0xD0000000, s2;
	s6 =	simm.s32 $0x108;
	_ =	swait.ge @!p0 [sflag:s8], $0x0  }
0x24: {  	s3 =	sadd.s32 $0x88, s3;
	s6 =	simm.s32 @!p1 $0x1082;
	[sflag:s4] =	ssyncset.s32 $0xFFFFF086  }
0x25: {  	[simem:s6], [sflag:s4] =	dma.local [hbm:s3], $0xF7A  }
0x26: {  	[smem:$0x3F9F] =	sst s1;
	(tag) =	ssettag s2;
	_ =	strace s9  }
0x27: {  	s1 =	sld [smem:$0x3FAF]  }
0x28: {  	s2 =	sld [smem:$0x3FB0]  }
0x29: {  	s4 =	sld [smem:$0x3FB2]  }
0x2a: {  	p0 =	seq.s32 s5, $0x0;
	s5 =	sld [smem:$0x3FB3]  }
0x2b: {  	s6 =	sld [smem:$0x3FB4]  }
0x2c: {  	s7 =	sld [smem:$0x3FB5]  }
0x2d: {  	s3 =	simm.s32 $0x108;
	s8 =	sld [smem:$0x3FB6]  }
0x2e: {  	s3 =	simm.s32 @!p0 $0x1082;
	s9 =	sld [smem:$0x3FB7]  }
0x2f: {  	lr =	sadd.s32 s0, s3;
	s0 =	sld [smem:$0x3FAE]  }
0x30: {  	s3 =	sld [smem:$0x3FB1]  }
0x31: {  	[smem:$0x3FBA] =	sst s10  }
0x32: {  	s10 =	sld [smem:$0x3FB8];
	_ =	sdelay $0x3  }
0x33: {  	p0 =	seq.s32 s10, $0x1;
	s10 =	sld [smem:$0x3FBA];
	_ =	sdelay $0x3  }
0x34: {  	[smem:$0x3FBA] =	sst s10  }
0x35: {  	s10 =	sld [smem:$0x3FB9];
	_ =	sdelay $0x3  }
0x36: {  	p1 =	seq.s32 s10, $0x1;
	s10 =	sld [smem:$0x3FBA];
	_ =	sdelay $0x3  }
0x37: {  	[smem:$0x3FBA] =	sst s10  }
0x38: {  	s10 =	sld [smem:$0x3FBB]  }
0x39: {  	_ = 	snop;
	(pc) =	sbr.ind lr, $3  }
0x3a: {  	_ = 	snop  }
0x3b: {  	_ = 	snop  }
0x3c: {  	p2 =	seq.s32 s10, $0x1;
	s10 =	sld [smem:$0x3FBA]  }
0x3d: {  	_ =	shalt  }
0x3e: {  	_ =	shalt  }
0x3f: {  	_ =	shalt  }
0x40: {  	_ =	shalt  }
0x41: {  	_ =	shalt  }
0x42: {  	_ =	shalt  }
0x43: {  	_ =	shalt  }
0x44: {  	_ =	shalt  }
0x45: {  	_ =	shalt  }
0x46: {  	_ =	shalt  }
0x47: {  	_ =	shalt  }
0x48: {  	_ =	shalt  }
0x49: {  	_ =	shalt  }
0x4a: {  	_ =	shalt  }
0x4b: {  	_ =	shalt  }
0x4c: {  	_ =	shalt  }
0x4d: {  	_ =	shalt  }
0x4e: {  	_ =	shalt  }
0x4f: {  	_ =	shalt  }
0x50: {  	_ =	shalt  }
0x51: {  	_ =	shalt  }
0x52: {  	_ =	shalt  }
0x53: {  	_ =	shalt  }
0x54: {  	_ =	shalt  }
0x55: {  	_ =	shalt  }
0x56: {  	_ =	shalt  }
0x57: {  	_ =	shalt  }
0x58: {  	_ =	shalt  }
0x59: {  	_ =	shalt  }
0x5a: {  	_ =	shalt  }
0x5b: {  	_ =	shalt  }
0x5c: {  	_ =	shalt  }
0x5d: {  	_ =	shalt  }
0x5e: {  	_ =	shalt  }
0x5f: {  	_ =	shalt  }
0x60: {  	_ =	shalt  }
0x61: {  	_ =	shalt  }
0x62: {  	_ =	shalt  }
0x63: {  	_ =	shalt  }
0x64: {  	_ =	shalt  }
0x65: {  	_ =	shalt  }
0x66: {  	_ =	shalt  }
0x67: {  	_ =	shalt  }
0x68: {  	_ =	shalt  }
0x69: {  	_ =	shalt  }
0x6a: {  	_ =	shalt  }
0x6b: {  	_ =	shalt  }
0x6c: {  	_ =	shalt  }
0x6d: {  	_ =	shalt  }
0x6e: {  	_ =	shalt  }
0x6f: {  	_ =	shalt  }
0x70: {  	_ =	shalt  }
0x71: {  	_ =	shalt  }
0x72: {  	_ =	shalt  }
0x73: {  	_ =	shalt  }
0x74: {  	_ =	shalt  }
0x75: {  	_ =	shalt  }
0x76: {  	_ =	shalt  }
0x77: {  	_ =	shalt  }
0x78: {  	_ =	shalt  }
0x79: {  	_ =	shalt  }
0x7a: {  	_ =	shalt  }
0x7b: {  	_ =	shalt  }
0x7c: {  	_ =	shalt  }
0x7d: {  	_ =	shalt  }
0x7e: {  	_ =	shalt  }
0x7f: {  	_ =	shalt  }
0x80: {  	_ =	shalt  }
0x81: {  	_ =	shalt  }
0x82: {  	_ =	shalt  }
0x83: {  	_ =	shalt  }
0x84: {  	_ =	shalt  }
0x85: {  	_ =	shalt  }
0x86: {  	_ =	shalt  }
0x87: {  	_ =	shalt  }
.Lfunc_end0:
.L_simem_size_0:
called_computation.1_lowered:
.L_overlay_start_0:
0x88: {  	s2 =	sld [smem:$0x3FD9]  }
0x89: {  	s3 =	sld [smem:$0x3FFE];
	_ =	sdelay $0x1  }
0x8a: {  	s1 =	srdreg.scid  }
0x8b: {  	s0 =	sand.u32 $0x1, s1  }
0x8c: {  	s17 =	sshll.u32 s0, $0xA;
	s2 =	sadd.s32 s3, s2  }
0x8d: {  	s2 =	sadd.s32 s2, s17  }
0x8e: {  	[smem:$0x3FC6] =	sst s2  }
0x8f: {  	_ = 	snop  }
0x90: {  	s2 =	sld [smem:$0x3FD0];
	(tm) =	ssettm $0x1  }
0x91: {  	s18 =	sld [smem:$0x3FFB];
	_ =	sdelay $0x3  }
0x92: {  	_ =	strace s18  }
0x93: {  	s3 =	sld [smem:$0x3FFC];
	_ =	sdelay $0x3  }
0x94: {  	_ =	strace s3  }
0x95: {  	s3 =	sld [smem:$0x3FFD];
	_ =	sdelay $0x3  }
0x96: {  	_ =	strace s3  }
0x97: {  	_ =	strace $0x8FFFFFFF  }
0x98: {  	s19 =	sld [smem:$0x3FDB];
	_ =	sdelay $0x1  }
0x99: {  	s4 =	simm.s32 $_scs_section_size  }
0x9a: {  	s5 =	simm.s32 $_size__tile_overlayer_lowered;
	s6 =	simm.s32 $_tile_overlayer_lowered  }
0x9b: {  	s22 =	simm.s32 $0x1BFF;
	s21 =	sshll.u32 s6, $0x1;
	s3 =	sadd.s32 s4, s19  }
0x9c: {  	s7 =	simm.s32 $0x0;
	s20 =	sshll.u32 s5, $0x1;
	s5 =	sadd.s32 s21, s3  }
0x9d: {  	[timem:s7], [sflag:s22] =	dma.local [hbm:s5], s20  }
0x9e: {  	_ =	swait.ge [sflag:s22], s20  }
0x9f: {  	s4 =	ssub.s32 $0x0, s20;
	[sflag:s22] =	ssyncset.done $0x0  }
0xa0: {  	[sflag:s22] =	ssyncadd.s32 s4;
	_ =	sdelay $0x1  }
0xa1: {  	s23 =	simm.s32 $0x1B8B  }
0xa2: {  	_ =	swait.ge [sflag:s23], $0x1  }
0xa3: {  	[sflag:s23] =	ssyncset.done $0x0  }
0xa4: {  	s25 =	simm.s32 $0x1B8E;
	s24 =	sld [smem:$0x3FFE];
	[sflag:s23] =	ssyncadd.s32 $0xFFFFFFFF  }
0xa5: {  	s26 =	simm.s32 $execute0_lowered;
	[smem:$0x3FD2] =	sst s25  }
0xa6: {  	s5 =	sshll.u32 s26, $0x1;
	_ =	strace $0x80000046;
	[dreg:$0x1] =	wrdreg $0xFFFFFFFF  }
0xa7: {  	s28 =	simm.s32 $_size_execute0_lowered;
	s3 =	sadd.s32 s3, s5;
	[dreg:$0x0] =	wrdreg $0x0  }
0xa8: {  	s5 =	sshll.u32 s28, $0x1;
	[dreg:$0x2] =	wrdreg s3  }
0xa9: {  	[dreg:$0x3] =	wrdreg s5  }
0xaa: {  	[dreg:$0x4] =	wrdreg $0xC0  }
0xab: {  	_ =	task [dreg:s7], $0x5FFFF  }
0xac: {  	[dreg:$0x1] =	wrdreg $0xFFFFFFFF  }
0xad: {  	[dreg:$0x0] =	wrdreg $0x60  }
0xae: {  	[dreg:$0x2] =	wrdreg s24  }
0xaf: {  	[dreg:$0x3] =	wrdreg s2  }
0xb0: {  	[dreg:$0x4] =	wrdreg $0x9  }
0xb1: {  	_ =	task.clear_ibuf [dreg:s7], $0x5FFFF;
	_ =	strace $0x90000046  }
0xb2: {  	s29 =	simm.s32 $0x9;
	_ =	strace $0x80000048  }
0xb3: {  	_ =	swait.ge [sflag:s29], $0x1  }
0xb4: {  	[sflag:s29] =	ssyncadd.s32 $0xFFFFFFFF  }
0xb5: {  	_ =	strace $0x90000048  }
0xb6: {  	_ =	sfence  }
0xb7: {  	s30 =	sld [smem:$0x0];
	_ =	sdelay $0x2  }
0xb8: {  	s31 =	sshll.u32 s1, $0xD;
	s1 =	sshrl.u32 s1, $0x2  }
0xb9: {  	s3 =	sand.u32 $0x4000, s31;
	s1 =	sadd.s32 s1, s30  }
0xba: {  	s0 =	sor.u32 s3, s0;
	s1 =	sshll.u32 s1, $0x11  }
0xbb: {  	s0 =	sor.u32 s1, s0  }
0xbc: {  	s0 =	sadd.s32 $0x8F2B, s0  }
0xbd: {  	[sflag:s0] =	ssyncadd.remote.s32 $0x1  }
0xbe: {  	_ =	sfence.sel $0xFFFF  }
0xbf: {  	[dreg:$0x0] =	wrdreg $0xFFFFFFFF;
	(pc) =	sbr.abs _section_cstart, $3  }
0xc0: {  	[dreg:$0x1] =	wrdreg $0xFFFFFFFF  }
0xc1: {  	_ =	task.clear_ibuf [dreg:s7], $0x2FFFF;
	_ =	strace $0x9FFFFFFF  }
0xc2: {  	(tm) =	ssettm $0x7FFFFFFF  }
0xc3: {  	_ =	shalt  }
tec
execute0_lowered:
.L_overlay_start_1:
0x0: {  	(tag) =	ssettag $0x1  }
0x1: {  	s0 =	rddreg [dreg:$0x0]  }
0x2: {  	s1 =	rddreg [dreg:$0x1];
	s2 =	srdreg.scid  }
0x3: {  	s9 =	stileid.u32;
	s5 =	simm.s32 $0x0;
	s16 =	simm.s32 $0x80  }
0x4: {  	s30 =	simm.s32 $0x9600;
	s17 =	simm.s32 $0xC800;
	s31 =	simm.s32 $0x2  }
0x5: {  	s10 =	simm.s32 $0x5;
	s12 =	simm.s32 $0x6;
	s14 =	simm.s32 $0x8  }
0x6: {  	s28 =	simm.s32 $0xE;
	s2 =	sand.u32 $0x1, s2;
	s3 =	sshll.u32 s9, $0x8  }
0x7: {  	[smem:$0x7FF] =	sst s5;
	s22 =	smul.u32 $0xC8000, s9;
	s4 =	sshll.u32 s2, $0x7  }
0x8: {  	s6 =	ssub.s32 $0x2, s2;
	s2 =	smul.u32 $0x64000, s2;
	s4 =	sor.u32 s4, s3  }
0x9: {  	s29 =	simm.s32 $0x10;
	_ =	strace $0x80000047;
	s18 =	smul.u32 $0x19, s4  }
0xa: {  	s3 =	sadd.s32 $0x800, s0;
	s8 =	sshrl.u32 s6, $0x1;
	s7 =	smul.u32 $0xC80, s4  }
0xb: {  	s0 =	sadd.s32 $0xF42C00, s0;
	s4 =	smul.u32 $0x6400, s4;
	s6 =	ssub.s32 s6, s8  }
0xc: {  	s8 =	simm.s32 $0xB600;
	s26 =	smax.u32 s6, $0x1;
	s1 =	sadd.s32 s1, s18  }
0xd: {  	s19 =	sadd.s32 s0, s7;
	s21 =	sshrl.u32 s4, $0x3;
	[dreg:$0xc] =	wrdreg s26  }
0xe: {  	s18 =	simm.s32 $0x48;
	s26 =	simm.s32 $0x14C00;
	s4 =	simm.s32 $0x0  }
0xf: {  	[dreg:$0x3] =	wrdreg s1;
	s20 =	sadd.s32 $0xC80, s19;
	s7 =	sadd.s32 $0x1900, s19  }
0x10: {  	s1 =	sadd.s32 s0, s21;
	[dreg:$0x4] =	wrdreg s19;
	s5 =	sadd.s32 $0x2580, s19  }
0x11: {  	s0 =	sadd.s32 s22, s0;
	s21 =	simm.s32 $0x6400;
	[dreg:$0x5] =	wrdreg s20  }
0x12: {  	s22 =	simm.s32 $0x8400;
	s19 =	simm.s32 $0xC;
	[dreg:$0x6] =	wrdreg s7  }
0x13: {  	[dreg:$0x7] =	wrdreg s5;
	s23 =	sadd.s32 $0x60E00, s1;
	s24 =	sadd.s32 $0x61A80, s1  }
0x14: {  	s25 =	sadd.s32 $0x62700, s1;
	s0 =	sadd.s32 s2, s0;
	[dreg:$0x8] =	wrdreg s23  }
0x15: {  	s1 =	sadd.s32 $0x63380, s1;
	s20 =	simm.s32 $0x40;
	[dreg:$0x9] =	wrdreg s24  }
0x16: {  	s2 =	simm.s32 $0x3;
	s7 =	simm.s32 $0x4;
	[dreg:$0xa] =	wrdreg s25  }
0x17: {  	s5 =	simm.s32 $0x7;
	[dreg:$0xb] =	wrdreg s1;
	s0 =	sadd.s32 $0x4B00, s0  }
0x18: {  	s25 =	simm.s32 $0xE800;
	s1 =	simm.s32 $0x1;
	s24 =	simm.s32 $0x17E00  }
0x19: {  	s23 =	simm.s32 $0xD;
	[dreg:$0xd] =	wrdreg s0;
	s0 =	simm.s32 $0xF  }
.LBB2_1:
0x1a: {  	[dreg:$0xe] =	wrdreg s4  }
0x1b: {  	s6 =	simm.s32 $0x0;
	s9 =	rddreg [dreg:$0x3];
	s11 =	simm.s32 $0x11  }
0x1c: {  	[tilespmem:s6], [sflag:$0x11] =	stream.linear.gather [hbm4b:s9+s6], $0x6400, $0x38;
	[tilespmem:$0x1F400] =	vst v63  }
0x1d: {  	_ =	swait.ge [sflag:s11], $0x6400  }
0x1e: {  	[sflag:s11] =	ssyncset.done $0x0  }
0x1f: {  	[sflag:s11] =	ssyncadd.s32 $0xFFFF9C00  }
0x20: {  	[tilespmem:s21], [sflag:$0x1] =	stream.indirect.gather [hbm4b:s3+s16], $0x40, s6, s16, $0xb8;
	[tilespmem:$0x1F400] =	vst v63  }
0x21: {  	_ = 	snop  }
0x22: {  	[tilespmem:s22], [sflag:$0x1] =	stream.indirect.gather [hbm4b:s3+s18], $0x40, s16, s18, $0xb8;
	[tilespmem:$0x1F400] =	vst v63  }
0x23: {  	s13 =	simm.s32 $0xC8  }
0x24: {  	[tilespmem:s30], [sflag:$0x2] =	stream.indirect.gather [hbm4b:s3+s16], $0x40, s13, s16, $0xb8;
	[tilespmem:$0x1F400] =	vst v63  }
0x25: {  	s15 =	simm.s32 $0x148  }
0x26: {  	[tilespmem:s8], [sflag:$0x2] =	stream.indirect.gather [hbm4b:s3+s18], $0x40, s15, s18, $0xb8;
	[tilespmem:$0x1F400] =	vst v63  }
0x27: {  	s4 =	simm.s32 $0x190  }
0x28: {  	[tilespmem:s17], [sflag:$0x3] =	stream.indirect.gather [hbm4b:s3+s16], $0x40, s4, s16, $0xb8;
	[tilespmem:$0x1F400] =	vst v63  }
0x29: {  	s8 =	simm.s32 $0x210  }
0x2a: {  	[tilespmem:s25], [sflag:$0x3] =	stream.indirect.gather [hbm4b:s3+s18], $0x40, s8, s18, $0xb8;
	[tilespmem:$0x1F400] =	vst v63  }
0x2b: {  	s9 =	simm.s32 $0x258;
	s11 =	simm.s32 $0xFA00  }
0x2c: {  	[tilespmem:s11], [sflag:$0x4] =	stream.indirect.gather [hbm4b:s3+s16], $0x40, s9, s16, $0xb8;
	[tilespmem:$0x1F400] =	vst v63  }
0x2d: {  	s13 =	simm.s32 $0x2D8;
	s15 =	simm.s32 $0x11A00  }
0x2e: {  	[tilespmem:s15], [sflag:$0x4] =	stream.indirect.gather [hbm4b:s3+s18], $0x40, s13, s18, $0xb8;
	[tilespmem:$0x1F400] =	vst v63  }
0x2f: {  	_ =	swait.ge [sflag:s1], $0x2000  }
0x30: {  	[sflag:s1] =	ssyncset.done $0x0  }
0x31: {  	[sflag:s1] =	ssyncadd.s32 $0xFFFFE000  }
0x32: {  	_ =	swait.ge [sflag:s1], $0x1200  }
0x33: {  	[sflag:s1] =	ssyncset.done $0x0  }
0x34: {  	s25 =	rddreg [dreg:$0x4];
	[sflag:s1] =	ssyncadd.s32 $0xFFFFEE00  }
0x35: {  	[hbm4b:s25+s20] =	stream.strided.scatter [tilespmem:s21], [sflag:$0x9], $0x3200, s16, s20, $0x38;
	[tilespmem:$0x1F400] =	vst v63  }
0x36: {  	s4 =	simm.s32 $0x320;
	s13 =	simm.s32 $0x12C00  }
0x37: {  	[tilespmem:s13], [sflag:$0x5] =	stream.indirect.gather [hbm4b:s3+s16], $0x40, s4, s16, $0xb8;
	[tilespmem:$0x1F400] =	vst v63  }
0x38: {  	s6 =	simm.s32 $0x3A0  }
0x39: {  	[tilespmem:s26], [sflag:$0x5] =	stream.indirect.gather [hbm4b:s3+s18], $0x40, s6, s18, $0xb8;
	[tilespmem:$0x1F400] =	vst v63  }
0x3a: {  	_ =	swait.ge [sflag:s31], $0x2000  }
0x3b: {  	[sflag:s31] =	ssyncset.done $0x0  }
0x3c: {  	[sflag:s31] =	ssyncadd.s32 $0xFFFFE000  }
0x3d: {  	_ =	swait.ge [sflag:s31], $0x1200  }
0x3e: {  	[sflag:s31] =	ssyncset.done $0x0  }
0x3f: {  	s9 =	rddreg [dreg:$0x5];
	[sflag:s31] =	ssyncadd.s32 $0xFFFFEE00  }
0x40: {  	[hbm4b:s9+s20] =	stream.strided.scatter [tilespmem:s30], [sflag:$0xA], $0x3200, s16, s20, $0x38;
	[tilespmem:$0x1F400] =	vst v63  }
0x41: {  	s11 =	simm.s32 $0x3E8;
	s15 =	simm.s32 $0x15E00  }
0x42: {  	[tilespmem:s15], [sflag:$0x6] =	stream.indirect.gather [hbm4b:s3+s16], $0x40, s11, s16, $0xb8;
	[tilespmem:$0x1F400] =	vst v63  }
0x43: {  	s25 =	simm.s32 $0x468  }
0x44: {  	[tilespmem:s24], [sflag:$0x6] =	stream.indirect.gather [hbm4b:s3+s18], $0x40, s25, s18, $0xb8;
	[tilespmem:$0x1F400] =	vst v63  }
0x45: {  	_ =	swait.ge [sflag:s2], $0x2000  }
0x46: {  	[sflag:s2] =	ssyncset.done $0x0  }
0x47: {  	[sflag:s2] =	ssyncadd.s32 $0xFFFFE000  }
0x48: {  	_ =	swait.ge [sflag:s2], $0x1200  }
0x49: {  	[sflag:s2] =	ssyncset.done $0x0  }
0x4a: {  	s4 =	rddreg [dreg:$0x6];
	[sflag:s2] =	ssyncadd.s32 $0xFFFFEE00  }
0x4b: {  	[hbm4b:s4+s20] =	stream.strided.scatter [tilespmem:s17], [sflag:$0xB], $0x3200, s16, s20, $0x38;
	[tilespmem:$0x1F400] =	vst v63  }
0x4c: {  	s9 =	simm.s32 $0x4B0;
	s25 =	simm.s32 $0x19000  }
0x4d: {  	[tilespmem:s25], [sflag:$0x7] =	stream.indirect.gather [hbm4b:s3+s16], $0x40, s9, s16, $0xb8;
	[tilespmem:$0x1F400] =	vst v63  }
0x4e: {  	s11 =	simm.s32 $0x530;
	s17 =	simm.s32 $0x1B000  }
0x4f: {  	[tilespmem:s17], [sflag:$0x7] =	stream.indirect.gather [hbm4b:s3+s18], $0x40, s11, s18, $0xb8;
	[tilespmem:$0x1F400] =	vst v63  }
0x50: {  	_ =	swait.ge [sflag:s7], $0x2000  }
0x51: {  	[sflag:s7] =	ssyncset.done $0x0  }
0x52: {  	[sflag:s7] =	ssyncadd.s32 $0xFFFFE000  }
0x53: {  	_ =	swait.ge [sflag:s7], $0x1200  }
0x54: {  	[sflag:s7] =	ssyncset.done $0x0  }
0x55: {  	s8 =	simm.s32 $0xFA00;
	s4 =	rddreg [dreg:$0x7];
	[sflag:s7] =	ssyncadd.s32 $0xFFFFEE00  }
0x56: {  	[hbm4b:s4+s20] =	stream.strided.scatter [tilespmem:s8], [sflag:$0xC], $0x3200, s16, s20, $0x38;
	[tilespmem:$0x1F400] =	vst v63  }
0x57: {  	s9 =	simm.s32 $0x1C200;
	s8 =	simm.s32 $0x578  }
0x58: {  	[tilespmem:s9], [sflag:$0x8] =	stream.indirect.gather [hbm4b:s3+s16], $0x40, s8, s16, $0xb8;
	[tilespmem:$0x1F400] =	vst v63  }
0x59: {  	s11 =	simm.s32 $0x5F8;
	s17 =	simm.s32 $0x1E200  }
0x5a: {  	[tilespmem:s17], [sflag:$0x8] =	stream.indirect.gather [hbm4b:s3+s18], $0x40, s11, s18, $0xb8;
	[tilespmem:$0x1F400] =	vst v63  }
0x5b: {  	_ =	swait.ge [sflag:s10], $0x2000  }
0x5c: {  	[sflag:s10] =	ssyncset.done $0x0  }
0x5d: {  	[sflag:s10] =	ssyncadd.s32 $0xFFFFE000  }
0x5e: {  	_ =	swait.ge [sflag:s10], $0x1200  }
0x5f: {  	[sflag:s10] =	ssyncset.done $0x0;
	s17 =	rddreg [dreg:$0xd]  }
0x60: {  	s6 =	simm.s32 $0x9;
	[sflag:s10] =	ssyncadd.s32 $0xFFFFEE00;
	s4 =	sadd.s32 $0xFFFFE700, s17  }
0x61: {  	[hbm4b:s4+s20] =	stream.strided.scatter [tilespmem:s13], [sflag:$0xD], $0x3200, s16, s20, $0x38;
	[tilespmem:$0x1F400] =	vst v63  }
0x62: {  	_ =	swait.ge [sflag:s6], $0x3200  }
0x63: {  	[sflag:s6] =	ssyncset.done $0x0  }
0x64: {  	s4 =	simm.s32 $0x640;
	[sflag:s6] =	ssyncadd.s32 $0xFFFFCE00  }
0x65: {  	[tilespmem:s21], [sflag:$0x1] =	stream.indirect.gather [hbm4b:s3+s16], $0x40, s4, s16, $0xb8;
	[tilespmem:$0x1F400] =	vst v63  }
0x66: {  	s4 =	simm.s32 $0x6C0  }
0x67: {  	[tilespmem:s22], [sflag:$0x1] =	stream.indirect.gather [hbm4b:s3+s18], $0x40, s4, s18, $0xb8;
	[tilespmem:$0x1F400] =	vst v63  }
0x68: {  	_ =	swait.ge [sflag:s12], $0x2000  }
0x69: {  	[sflag:s12] =	ssyncset.done $0x0  }
0x6a: {  	[sflag:s12] =	ssyncadd.s32 $0xFFFFE000  }
0x6b: {  	_ =	swait.ge [sflag:s12], $0x1200  }
0x6c: {  	[sflag:s12] =	ssyncset.done $0x0  }
0x6d: {  	s6 =	simm.s32 $0xA;
	s4 =	sadd.s32 $0xFFFFF380, s17;
	[sflag:s12] =	ssyncadd.s32 $0xFFFFEE00  }
0x6e: {  	[hbm4b:s4+s20] =	stream.strided.scatter [tilespmem:s15], [sflag:$0xE], $0x3200, s16, s20, $0x38;
	[tilespmem:$0x1F400] =	vst v63  }
0x6f: {  	_ =	swait.ge [sflag:s6], $0x3200  }
0x70: {  	[sflag:s6] =	ssyncset.done $0x0  }
0x71: {  	s22 =	simm.s32 $0x708;
	[sflag:s6] =	ssyncadd.s32 $0xFFFFCE00  }
0x72: {  	[tilespmem:s30], [sflag:$0x2] =	stream.indirect.gather [hbm4b:s3+s16], $0x40, s22, s16, $0xb8;
	[tilespmem:$0x1F400] =	vst v63  }
0x73: {  	s8 =	simm.s32 $0xB600;
	s4 =	simm.s32 $0x788  }
0x74: {  	[tilespmem:s8], [sflag:$0x2] =	stream.indirect.gather [hbm4b:s3+s18], $0x40, s4, s18, $0xb8;
	[tilespmem:$0x1F400] =	vst v63  }
0x75: {  	_ =	swait.ge [sflag:s5], $0x2000  }
0x76: {  	[sflag:s5] =	ssyncset.done $0x0  }
0x77: {  	[sflag:s5] =	ssyncadd.s32 $0xFFFFE000  }
0x78: {  	_ =	swait.ge [sflag:s5], $0x1200  }
0x79: {  	[sflag:s5] =	ssyncset.done $0x0  }
0x7a: {  	s22 =	simm.s32 $0xB;
	[sflag:s5] =	ssyncadd.s32 $0xFFFFEE00  }
0x7b: {  	[hbm4b:s17+s20] =	stream.strided.scatter [tilespmem:s25], [sflag:$0xF], $0x3200, s16, s20, $0x38;
	[tilespmem:$0x1F400] =	vst v63  }
0x7c: {  	_ =	swait.ge [sflag:s22], $0x3200  }
0x7d: {  	[sflag:s22] =	ssyncset.done $0x0  }
0x7e: {  	s9 =	simm.s32 $0xC800;
	s4 =	simm.s32 $0x7D0;
	[sflag:s22] =	ssyncadd.s32 $0xFFFFCE00  }
0x7f: {  	[tilespmem:s9], [sflag:$0x3] =	stream.indirect.gather [hbm4b:s3+s16], $0x40, s4, s16, $0xb8;
	[tilespmem:$0x1F400] =	vst v63  }
0x80: {  	s11 =	simm.s32 $0xE800;
	s8 =	simm.s32 $0x850  }
0x81: {  	[tilespmem:s11], [sflag:$0x3] =	stream.indirect.gather [hbm4b:s3+s18], $0x40, s8, s18, $0xb8;
	[tilespmem:$0x1F400] =	vst v63  }
0x82: {  	_ =	swait.ge [sflag:s14], $0x2000  }
0x83: {  	[sflag:s14] =	ssyncset.done $0x0  }
0x84: {  	[sflag:s14] =	ssyncadd.s32 $0xFFFFE000  }
0x85: {  	_ =	swait.ge [sflag:s14], $0x1200  }
0x86: {  	[sflag:s14] =	ssyncset.done $0x0  }
0x87: {  	s4 =	simm.s32 $0x1C200;
	s11 =	sadd.s32 $0xC80, s17;
	[sflag:s14] =	ssyncadd.s32 $0xFFFFEE00  }
0x88: {  	[hbm4b:s11+s20] =	stream.strided.scatter [tilespmem:s4], [sflag:$0x10], $0x3200, s16, s20, $0x38;
	[tilespmem:$0x1F400] =	vst v63  }
0x89: {  	_ =	swait.ge [sflag:s19], $0x3200  }
0x8a: {  	[sflag:s19] =	ssyncset.done $0x0  }
0x8b: {  	s22 =	simm.s32 $0x898;
	s11 =	simm.s32 $0xFA00;
	[sflag:s19] =	ssyncadd.s32 $0xFFFFCE00  }
0x8c: {  	[tilespmem:s11], [sflag:$0x4] =	stream.indirect.gather [hbm4b:s3+s16], $0x40, s22, s16, $0xb8;
	[tilespmem:$0x1F400] =	vst v63  }
0x8d: {  	s8 =	simm.s32 $0x918;
	s22 =	simm.s32 $0x11A00  }
0x8e: {  	[tilespmem:s22], [sflag:$0x4] =	stream.indirect.gather [hbm4b:s3+s18], $0x40, s8, s18, $0xb8;
	[tilespmem:$0x1F400] =	vst v63  }
0x8f: {  	_ =	swait.ge [sflag:s1], $0x2000  }
0x90: {  	[sflag:s1] =	ssyncset.done $0x0  }
0x91: {  	[sflag:s1] =	ssyncadd.s32 $0xFFFFE000  }
0x92: {  	_ =	swait.ge [sflag:s1], $0x1200  }
0x93: {  	[sflag:s1] =	ssyncset.done $0x0  }
0x94: {  	s8 =	sadd.s32 $0x1900, s17;
	[sflag:s1] =	ssyncadd.s32 $0xFFFFEE00  }
0x95: {  	[hbm4b:s8+s20] =	stream.strided.scatter [tilespmem:s21], [sflag:$0x9], $0x3200, s16, s20, $0x38;
	[tilespmem:$0x1F400] =	vst v63  }
0x96: {  	_ =	swait.ge [sflag:s23], $0x3200  }
0x97: {  	[sflag:s23] =	ssyncset.done $0x0  }
0x98: {  	s21 =	simm.s32 $0x960;
	[sflag:s23] =	ssyncadd.s32 $0xFFFFCE00  }
0x99: {  	[tilespmem:s13], [sflag:$0x5] =	stream.indirect.gather [hbm4b:s3+s16], $0x40, s21, s16, $0xb8;
	[tilespmem:$0x1F400] =	vst v63  }
0x9a: {  	s22 =	simm.s32 $0x9E0  }
0x9b: {  	[tilespmem:s26], [sflag:$0x5] =	stream.indirect.gather [hbm4b:s3+s18], $0x40, s22, s18, $0xb8;
	[tilespmem:$0x1F400] =	vst v63  }
0x9c: {  	_ =	swait.ge [sflag:s31], $0x2000  }
0x9d: {  	[sflag:s31] =	ssyncset.done $0x0  }
0x9e: {  	[sflag:s31] =	ssyncadd.s32 $0xFFFFE000  }
0x9f: {  	_ =	swait.ge [sflag:s31], $0x1200  }
0xa0: {  	[sflag:s31] =	ssyncset.done $0x0  }
0xa1: {  	s26 =	sadd.s32 $0x2580, s17;
	[sflag:s31] =	ssyncadd.s32 $0xFFFFEE00  }
0xa2: {  	[hbm4b:s26+s20] =	stream.strided.scatter [tilespmem:s30], [sflag:$0xA], $0x3200, s16, s20, $0x38;
	[tilespmem:$0x1F400] =	vst v63  }
0xa3: {  	_ =	swait.ge [sflag:s28], $0x3200  }
0xa4: {  	[sflag:s28] =	ssyncset.done $0x0  }
0xa5: {  	s8 =	simm.s32 $0xA28;
	[sflag:s28] =	ssyncadd.s32 $0xFFFFCE00  }
0xa6: {  	[tilespmem:s15], [sflag:$0x6] =	stream.indirect.gather [hbm4b:s3+s16], $0x40, s8, s16, $0xb8;
	[tilespmem:$0x1F400] =	vst v63  }
0xa7: {  	s13 =	simm.s32 $0xAA8  }
0xa8: {  	[tilespmem:s24], [sflag:$0x6] =	stream.indirect.gather [hbm4b:s3+s18], $0x40, s13, s18, $0xb8;
	[tilespmem:$0x1F400] =	vst v63  }
0xa9: {  	_ =	swait.ge [sflag:s2], $0x2000  }
0xaa: {  	[sflag:s2] =	ssyncset.done $0x0  }
0xab: {  	[sflag:s2] =	ssyncadd.s32 $0xFFFFE000  }
0xac: {  	_ =	swait.ge [sflag:s2], $0x1200  }
0xad: {  	[sflag:s2] =	ssyncset.done $0x0  }
0xae: {  	s9 =	simm.s32 $0xC800;
	s15 =	sadd.s32 $0x3200, s17;
	[sflag:s2] =	ssyncadd.s32 $0xFFFFEE00  }
0xaf: {  	[hbm4b:s15+s20] =	stream.strided.scatter [tilespmem:s9], [sflag:$0xB], $0x3200, s16, s20, $0x38;
	[tilespmem:$0x1F400] =	vst v63  }
0xb0: {  	_ =	swait.ge [sflag:s0], $0x3200  }
0xb1: {  	[sflag:s0] =	ssyncset.done $0x0  }
0xb2: {  	s21 =	simm.s32 $0xAF0;
	[sflag:s0] =	ssyncadd.s32 $0xFFFFCE00  }
0xb3: {  	[tilespmem:s25], [sflag:$0x7] =	stream.indirect.gather [hbm4b:s3+s16], $0x40, s21, s16, $0xb8;
	[tilespmem:$0x1F400] =	vst v63  }
0xb4: {  	s22 =	simm.s32 $0xB70;
	s24 =	simm.s32 $0x1B000  }
0xb5: {  	[tilespmem:s24], [sflag:$0x7] =	stream.indirect.gather [hbm4b:s3+s18], $0x40, s22, s18, $0xb8;
	[tilespmem:$0x1F400] =	vst v63  }
0xb6: {  	_ =	swait.ge [sflag:s7], $0x2000  }
0xb7: {  	[sflag:s7] =	ssyncset.done $0x0  }
0xb8: {  	[sflag:s7] =	ssyncadd.s32 $0xFFFFE000  }
0xb9: {  	_ =	swait.ge [sflag:s7], $0x1200  }
0xba: {  	[sflag:s7] =	ssyncset.done $0x0  }
0xbb: {  	s25 =	sadd.s32 $0x3E80, s17;
	[sflag:s7] =	ssyncadd.s32 $0xFFFFEE00  }
0xbc: {  	[hbm4b:s25+s20] =	stream.strided.scatter [tilespmem:s11], [sflag:$0xC], $0x3200, s16, s20, $0x38;
	[tilespmem:$0x1F400] =	vst v63  }
0xbd: {  	s6 =	sadd.s32 $0x6400, s17;
	s26 =	simm.s32 $0xBB8;
	_ =	swait.ge [sflag:s29], $0x3200  }
0xbe: {  	s30 =	simm.s32 $0x9600;
	s9 =	simm.s32 $0xC38;
	[sflag:s29] =	ssyncset.done $0x0  }
0xbf: {  	s21 =	simm.s32 $0x6400;
	s22 =	simm.s32 $0x1900;
	[sflag:s29] =	ssyncadd.s32 $0xFFFFCE00  }
0xc0: {  	[tilespmem:s4], [sflag:$0x8] =	stream.indirect.gather [hbm4b:s3+s16], $0x40, s26, s16, $0xb8;
	[tilespmem:$0x1F400] =	vst v63  }
.LBB2_2:
0xc1: {  	s4 =	simm.s32 $0x1E200  }
0xc2: {  	[tilespmem:s4], [sflag:$0x8] =	stream.indirect.gather [hbm4b:s3+s18], $0x40, s9, s18, $0xb8;
	[tilespmem:$0x1F400] =	vst v63  }
0xc3: {  	s9 =	smov.u32 s22  }
0xc4: {  	p0 =	sne.s32 s22, $0x15E00;
	s22 =	sadd.s32 $0x1900, s22;
	_ =	swait.ge [sflag:s10], $0x2000  }
0xc5: {  	[sflag:s10] =	ssyncset.done $0x0  }
0xc6: {  	[sflag:s10] =	ssyncadd.s32 $0xFFFFE000  }
0xc7: {  	_ =	swait.ge [sflag:s10], $0x1200  }
0xc8: {  	s17 =	sadd.s32 $0xFFFFE700, s6;
	[sflag:s10] =	ssyncset.done $0x0  }
0xc9: {  	s26 =	simm.s32 $0x12C00;
	s4 =	simm.s32 $0x9;
	[sflag:s10] =	ssyncadd.s32 $0xFFFFEE00  }
0xca: {  	[hbm4b:s17+s20] =	stream.strided.scatter [tilespmem:s26], [sflag:$0xD], $0x3200, s16, s20, $0x38;
	[tilespmem:$0x1F400] =	vst v63  }
0xcb: {  	_ =	swait.ge [sflag:s4], $0x3200  }
0xcc: {  	s9 =	sshra.s32 s9, $0x2;
	[sflag:s4] =	ssyncset.done $0x0  }
0xcd: {  	s17 =	sadd.s32 $0x640, s9;
	[sflag:s4] =	ssyncadd.s32 $0xFFFFCE00  }
0xce: {  	[tilespmem:s21], [sflag:$0x1] =	stream.indirect.gather [hbm4b:s3+s16], $0x40, s17, s16, $0xb8;
	[tilespmem:$0x1F400] =	vst v63  }
0xcf: {  	s4 =	simm.s32 $0x8400;
	s17 =	sadd.s32 $0x6C0, s9  }
0xd0: {  	[tilespmem:s4], [sflag:$0x1] =	stream.indirect.gather [hbm4b:s3+s18], $0x40, s17, s18, $0xb8;
	[tilespmem:$0x1F400] =	vst v63  }
0xd1: {  	_ =	swait.ge [sflag:s12], $0x2000  }
0xd2: {  	[sflag:s12] =	ssyncset.done $0x0  }
0xd3: {  	[sflag:s12] =	ssyncadd.s32 $0xFFFFE000  }
0xd4: {  	_ =	swait.ge [sflag:s12], $0x1200  }
0xd5: {  	s8 =	simm.s32 $0x15E00;
	[sflag:s12] =	ssyncset.done $0x0  }
0xd6: {  	s17 =	sadd.s32 $0xFFFFF380, s6;
	s4 =	simm.s32 $0xA;
	[sflag:s12] =	ssyncadd.s32 $0xFFFFEE00  }
0xd7: {  	[hbm4b:s17+s20] =	stream.strided.scatter [tilespmem:s8], [sflag:$0xE], $0x3200, s16, s20, $0x38;
	[tilespmem:$0x1F400] =	vst v63  }
0xd8: {  	_ =	swait.ge [sflag:s4], $0x3200  }
0xd9: {  	[sflag:s4] =	ssyncset.done $0x0  }
0xda: {  	s17 =	sadd.s32 $0x708, s9;
	[sflag:s4] =	ssyncadd.s32 $0xFFFFCE00  }
0xdb: {  	[tilespmem:s30], [sflag:$0x2] =	stream.indirect.gather [hbm4b:s3+s16], $0x40, s17, s16, $0xb8;
	[tilespmem:$0x1F400] =	vst v63  }
0xdc: {  	s4 =	simm.s32 $0xB600;
	s17 =	sadd.s32 $0x788, s9  }
0xdd: {  	[tilespmem:s4], [sflag:$0x2] =	stream.indirect.gather [hbm4b:s3+s18], $0x40, s17, s18, $0xb8;
	[tilespmem:$0x1F400] =	vst v63  }
0xde: {  	_ =	swait.ge [sflag:s5], $0x2000  }
0xdf: {  	[sflag:s5] =	ssyncset.done $0x0  }
0xe0: {  	[sflag:s5] =	ssyncadd.s32 $0xFFFFE000  }
0xe1: {  	_ =	swait.ge [sflag:s5], $0x1200  }
0xe2: {  	[sflag:s5] =	ssyncset.done $0x0  }
0xe3: {  	s25 =	simm.s32 $0x19000;
	s4 =	simm.s32 $0xB;
	[sflag:s5] =	ssyncadd.s32 $0xFFFFEE00  }
0xe4: {  	[hbm4b:s6+s20] =	stream.strided.scatter [tilespmem:s25], [sflag:$0xF], $0x3200, s16, s20, $0x38;
	[tilespmem:$0x1F400] =	vst v63  }
0xe5: {  	_ =	swait.ge [sflag:s4], $0x3200  }
0xe6: {  	[sflag:s4] =	ssyncset.done $0x0  }
0xe7: {  	s15 =	simm.s32 $0xC800;
	s17 =	sadd.s32 $0x7D0, s9;
	[sflag:s4] =	ssyncadd.s32 $0xFFFFCE00  }
0xe8: {  	[tilespmem:s15], [sflag:$0x3] =	stream.indirect.gather [hbm4b:s3+s16], $0x40, s17, s16, $0xb8;
	[tilespmem:$0x1F400] =	vst v63  }
0xe9: {  	s4 =	simm.s32 $0xE800;
	s17 =	sadd.s32 $0x850, s9  }
0xea: {  	[tilespmem:s4], [sflag:$0x3] =	stream.indirect.gather [hbm4b:s3+s18], $0x40, s17, s18, $0xb8;
	[tilespmem:$0x1F400] =	vst v63  }
0xeb: {  	_ =	swait.ge [sflag:s14], $0x2000  }
0xec: {  	[sflag:s14] =	ssyncset.done $0x0  }
0xed: {  	[sflag:s14] =	ssyncadd.s32 $0xFFFFE000  }
0xee: {  	_ =	swait.ge [sflag:s14], $0x1200  }
0xef: {  	[sflag:s14] =	ssyncset.done $0x0  }
0xf0: {  	s11 =	simm.s32 $0x1C200;
	s17 =	sadd.s32 $0xC80, s6;
	[sflag:s14] =	ssyncadd.s32 $0xFFFFEE00  }
0xf1: {  	[hbm4b:s17+s20] =	stream.strided.scatter [tilespmem:s11], [sflag:$0x10], $0x3200, s16, s20, $0x38;
	[tilespmem:$0x1F400] =	vst v63  }
0xf2: {  	_ =	swait.ge [sflag:s19], $0x3200  }
0xf3: {  	[sflag:s19] =	ssyncset.done $0x0  }
0xf4: {  	s13 =	simm.s32 $0xFA00;
	s17 =	sadd.s32 $0x898, s9;
	[sflag:s19] =	ssyncadd.s32 $0xFFFFCE00  }
0xf5: {  	[tilespmem:s13], [sflag:$0x4] =	stream.indirect.gather [hbm4b:s3+s16], $0x40, s17, s16, $0xb8;
	[tilespmem:$0x1F400] =	vst v63  }
0xf6: {  	s4 =	simm.s32 $0x11A00;
	s17 =	sadd.s32 $0x918, s9  }
0xf7: {  	[tilespmem:s4], [sflag:$0x4] =	stream.indirect.gather [hbm4b:s3+s18], $0x40, s17, s18, $0xb8;
	[tilespmem:$0x1F400] =	vst v63  }
0xf8: {  	_ =	swait.ge [sflag:s1], $0x2000  }
0xf9: {  	[sflag:s1] =	ssyncset.done $0x0  }
0xfa: {  	[sflag:s1] =	ssyncadd.s32 $0xFFFFE000  }
0xfb: {  	_ =	swait.ge [sflag:s1], $0x1200  }
0xfc: {  	[sflag:s1] =	ssyncset.done $0x0  }
0xfd: {  	s17 =	sadd.s32 $0x1900, s6;
	[sflag:s1] =	ssyncadd.s32 $0xFFFFEE00  }
0xfe: {  	[hbm4b:s17+s20] =	stream.strided.scatter [tilespmem:s21], [sflag:$0x9], $0x3200, s16, s20, $0x38;
	[tilespmem:$0x1F400] =	vst v63  }
0xff: {  	_ =	swait.ge [sflag:s23], $0x3200  }
0x100: {  	[sflag:s23] =	ssyncset.done $0x0  }
0x101: {  	s17 =	sadd.s32 $0x960, s9;
	[sflag:s23] =	ssyncadd.s32 $0xFFFFCE00  }
0x102: {  	[tilespmem:s26], [sflag:$0x5] =	stream.indirect.gather [hbm4b:s3+s16], $0x40, s17, s16, $0xb8;
	[tilespmem:$0x1F400] =	vst v63  }
0x103: {  	s4 =	simm.s32 $0x12C00;
	s26 =	simm.s32 $0x14C00  }
0x104: {  	s17 =	sadd.s32 $0x9E0, s9  }
0x105: {  	[tilespmem:s26], [sflag:$0x5] =	stream.indirect.gather [hbm4b:s3+s18], $0x40, s17, s18, $0xb8;
	[tilespmem:$0x1F400] =	vst v63  }
0x106: {  	_ =	swait.ge [sflag:s31], $0x2000  }
0x107: {  	[sflag:s31] =	ssyncset.done $0x0  }
0x108: {  	[sflag:s31] =	ssyncadd.s32 $0xFFFFE000  }
0x109: {  	_ =	swait.ge [sflag:s31], $0x1200  }
0x10a: {  	[sflag:s31] =	ssyncset.done $0x0  }
0x10b: {  	s17 =	sadd.s32 $0x2580, s6;
	[sflag:s31] =	ssyncadd.s32 $0xFFFFEE00  }
0x10c: {  	[hbm4b:s17+s20] =	stream.strided.scatter [tilespmem:s30], [sflag:$0xA], $0x3200, s16, s20, $0x38;
	[tilespmem:$0x1F400] =	vst v63  }
0x10d: {  	_ =	swait.ge [sflag:s28], $0x3200  }
0x10e: {  	[sflag:s28] =	ssyncset.done $0x0  }
0x10f: {  	s24 =	simm.s32 $0x15E00;
	s17 =	sadd.s32 $0xA28, s9;
	[sflag:s28] =	ssyncadd.s32 $0xFFFFCE00  }
0x110: {  	[tilespmem:s8], [sflag:$0x6] =	stream.indirect.gather [hbm4b:s3+s16], $0x40, s17, s16, $0xb8;
	[tilespmem:$0x1F400] =	vst v63  }
0x111: {  	s17 =	sadd.s32 $0xAA8, s9;
	s8 =	simm.s32 $0x17E00  }
0x112: {  	[tilespmem:s8], [sflag:$0x6] =	stream.indirect.gather [hbm4b:s3+s18], $0x40, s17, s18, $0xb8;
	[tilespmem:$0x1F400] =	vst v63  }
0x113: {  	_ =	swait.ge [sflag:s2], $0x2000  }
0x114: {  	[sflag:s2] =	ssyncset.done $0x0  }
0x115: {  	[sflag:s2] =	ssyncadd.s32 $0xFFFFE000  }
0x116: {  	_ =	swait.ge [sflag:s2], $0x1200  }
0x117: {  	[sflag:s2] =	ssyncset.done $0x0  }
0x118: {  	s17 =	sadd.s32 $0x3200, s6;
	[sflag:s2] =	ssyncadd.s32 $0xFFFFEE00  }
0x119: {  	[hbm4b:s17+s20] =	stream.strided.scatter [tilespmem:s15], [sflag:$0xB], $0x3200, s16, s20, $0x38;
	[tilespmem:$0x1F400] =	vst v63  }
0x11a: {  	_ =	swait.ge [sflag:s0], $0x3200  }
0x11b: {  	[sflag:s0] =	ssyncset.done $0x0  }
0x11c: {  	s8 =	simm.s32 $0x19000;
	s17 =	sadd.s32 $0xAF0, s9;
	[sflag:s0] =	ssyncadd.s32 $0xFFFFCE00  }
0x11d: {  	[tilespmem:s25], [sflag:$0x7] =	stream.indirect.gather [hbm4b:s3+s16], $0x40, s17, s16, $0xb8;
	[tilespmem:$0x1F400] =	vst v63  }
0x11e: {  	s17 =	sadd.s32 $0xB70, s9;
	s25 =	simm.s32 $0x1B000  }
0x11f: {  	[tilespmem:s25], [sflag:$0x7] =	stream.indirect.gather [hbm4b:s3+s18], $0x40, s17, s18, $0xb8;
	[tilespmem:$0x1F400] =	vst v63  }
0x120: {  	_ =	swait.ge [sflag:s7], $0x2000  }
0x121: {  	[sflag:s7] =	ssyncset.done $0x0  }
0x122: {  	[sflag:s7] =	ssyncadd.s32 $0xFFFFE000  }
0x123: {  	_ =	swait.ge [sflag:s7], $0x1200  }
0x124: {  	[sflag:s7] =	ssyncset.done $0x0  }
0x125: {  	s17 =	sadd.s32 $0x3E80, s6;
	[sflag:s7] =	ssyncadd.s32 $0xFFFFEE00  }
0x126: {  	[hbm4b:s17+s20] =	stream.strided.scatter [tilespmem:s13], [sflag:$0xC], $0x3200, s16, s20, $0x38;
	[tilespmem:$0x1F400] =	vst v63  }
.Ltmp0:
0x127: {  	_ =	swait.ge [sflag:s29], $0x3200;
	(pc) =	sbr.rel @p0 .LBB2_2-.Ltmp0, $4  }
0x128: {  	[sflag:s29] =	ssyncset.done $0x0  }
0x129: {  	s25 =	simm.s32 $0x1C200;
	s17 =	sadd.s32 $0xBB8, s9;
	[sflag:s29] =	ssyncadd.s32 $0xFFFFCE00  }
0x12a: {  	[tilespmem:s11], [sflag:$0x8] =	stream.indirect.gather [hbm4b:s3+s16], $0x40, s17, s16, $0xb8;
	[tilespmem:$0x1F400] =	vst v63  }
0x12b: {  	s6 =	sadd.s32 $0x6400, s6;
	s9 =	sadd.s32 $0xC38, s9  }
0x12c: {  	s6 =	simm.s32 $0x1E200  }
0x12d: {  	[tilespmem:s6], [sflag:$0x8] =	stream.indirect.gather [hbm4b:s3+s18], $0x40, s9, s18, $0xb8;
	[tilespmem:$0x1F400] =	vst v63  }
0x12e: {  	_ =	swait.ge [sflag:s10], $0x2000  }
0x12f: {  	[sflag:s10] =	ssyncset.done $0x0  }
0x130: {  	[sflag:s10] =	ssyncadd.s32 $0xFFFFE000  }
0x131: {  	_ =	swait.ge [sflag:s10], $0x1200  }
0x132: {  	[sflag:s10] =	ssyncset.done $0x0  }
0x133: {  	s9 =	rddreg [dreg:$0x8];
	[sflag:s10] =	ssyncadd.s32 $0xFFFFEE00  }
0x134: {  	[hbm4b:s9+s20] =	stream.strided.scatter [tilespmem:s4], [sflag:$0xD], $0x3200, s16, s20, $0x38;
	[tilespmem:$0x1F400] =	vst v63  }
0x135: {  	_ =	swait.ge [sflag:s12], $0x2000  }
0x136: {  	[sflag:s12] =	ssyncset.done $0x0  }
0x137: {  	[sflag:s12] =	ssyncadd.s32 $0xFFFFE000  }
0x138: {  	_ =	swait.ge [sflag:s12], $0x1200  }
0x139: {  	[sflag:s12] =	ssyncset.done $0x0  }
0x13a: {  	s11 =	rddreg [dreg:$0x9];
	[sflag:s12] =	ssyncadd.s32 $0xFFFFEE00  }
0x13b: {  	[hbm4b:s11+s20] =	stream.strided.scatter [tilespmem:s24], [sflag:$0xE], $0x3200, s16, s20, $0x38;
	[tilespmem:$0x1F400] =	vst v63  }
0x13c: {  	_ =	swait.ge [sflag:s5], $0x2000  }
0x13d: {  	[sflag:s5] =	ssyncset.done $0x0  }
0x13e: {  	[sflag:s5] =	ssyncadd.s32 $0xFFFFE000  }
0x13f: {  	_ =	swait.ge [sflag:s5], $0x1200  }
0x140: {  	[sflag:s5] =	ssyncset.done $0x0  }
0x141: {  	s13 =	rddreg [dreg:$0xa];
	[sflag:s5] =	ssyncadd.s32 $0xFFFFEE00  }
0x142: {  	[hbm4b:s13+s20] =	stream.strided.scatter [tilespmem:s8], [sflag:$0xF], $0x3200, s16, s20, $0x38;
	[tilespmem:$0x1F400] =	vst v63  }
0x143: {  	_ =	swait.ge [sflag:s14], $0x2000  }
0x144: {  	[sflag:s14] =	ssyncset.done $0x0  }
0x145: {  	[sflag:s14] =	ssyncadd.s32 $0xFFFFE000  }
0x146: {  	_ =	swait.ge [sflag:s14], $0x1200  }
0x147: {  	[sflag:s14] =	ssyncset.done $0x0  }
0x148: {  	s17 =	simm.s32 $0x9;
	s15 =	rddreg [dreg:$0xb];
	[sflag:s14] =	ssyncadd.s32 $0xFFFFEE00  }
0x149: {  	[hbm4b:s15+s20] =	stream.strided.scatter [tilespmem:s25], [sflag:$0x10], $0x3200, s16, s20, $0x38;
	[tilespmem:$0x1F400] =	vst v63  }
0x14a: {  	_ =	swait.ge [sflag:s17], $0x3200  }
0x14b: {  	[sflag:s17] =	ssyncset.done $0x0  }
0x14c: {  	s21 =	simm.s32 $0xA;
	[sflag:s17] =	ssyncadd.s32 $0xFFFFCE00  }
0x14d: {  	_ =	swait.ge [sflag:s21], $0x3200  }
0x14e: {  	[sflag:s21] =	ssyncset.done $0x0  }
0x14f: {  	s22 =	simm.s32 $0xB;
	[sflag:s21] =	ssyncadd.s32 $0xFFFFCE00  }
0x150: {  	_ =	swait.ge [sflag:s22], $0x3200  }
0x151: {  	[sflag:s22] =	ssyncset.done $0x0  }
0x152: {  	[sflag:s22] =	ssyncadd.s32 $0xFFFFCE00  }
0x153: {  	_ =	swait.ge [sflag:s19], $0x3200  }
0x154: {  	[sflag:s19] =	ssyncset.done $0x0  }
0x155: {  	[sflag:s19] =	ssyncadd.s32 $0xFFFFCE00  }
0x156: {  	_ =	swait.ge [sflag:s23], $0x3200  }
0x157: {  	[sflag:s23] =	ssyncset.done $0x0  }
0x158: {  	[sflag:s23] =	ssyncadd.s32 $0xFFFFCE00  }
0x159: {  	_ =	swait.ge [sflag:s28], $0x3200  }
0x15a: {  	[sflag:s28] =	ssyncset.done $0x0  }
0x15b: {  	[sflag:s28] =	ssyncadd.s32 $0xFFFFCE00  }
0x15c: {  	_ =	swait.ge [sflag:s0], $0x3200  }
0x15d: {  	[sflag:s0] =	ssyncset.done $0x0  }
0x15e: {  	[sflag:s0] =	ssyncadd.s32 $0xFFFFCE00  }
0x15f: {  	_ =	swait.ge [sflag:s29], $0x3200  }
0x160: {  	s24 =	rddreg [dreg:$0xe]  }
0x161: {  	s25 =	rddreg [dreg:$0xc];
	s4 =	sadd.s32 $0x1, s24  }
0x162: {  	p0 =	sne.s32 s4, s25  }
.Ltmp1:
0x163: {  	_ = 	snop;
	(pc) =	sbr.rel @p0 .LBB2_1-.Ltmp1, $4  }
0x164: {  	_ = 	snop  }
0x165: {  	s30 =	simm.s32 $0x9600;
	s8 =	simm.s32 $0xB600;
	s17 =	simm.s32 $0xC800  }
0x166: {  	s21 =	simm.s32 $0x6400;
	s22 =	simm.s32 $0x8400;
	[sflag:s29] =	ssyncset.done $0x0  }
0x167: {  	[sflag:s29] =	ssyncadd.s32 $0xFFFFCE00;
	s24 =	simm.s32 $0x17E00;
	s25 =	simm.s32 $0xE800  }
0x168: {  	_ =	sfence.sel $0x180000  }
0x169: {  	[bflag:$0x0] =	sbarrier.arrive $0xFFFF  }
0x16a: {  	_ =	strace $0x90000047  }
0x16b: {  	s0 =	stileid.u32;
	[bflag:$0x2] =	sbarrier.arrive $0xFFFF  }
0x16c: {  	p0 =	sne.s32 s0, $0x0;
	s0 =	rddreg [dreg:$0x2]  }
0x16d: {  	s0 =	sadd.s32 @!p0 $0x100000, s0  }
0x16e: {  	[sflag:s0] =	ssyncadd.tile.s32 @!p0 $0x1;
	_ =	shalt  }
.Lfunc_end2:
_tile_overlayer_lowered:
.L_overlay_start_2:
0x16f: {  	(tag) =	ssettag $0x2  }
0x170: {  	s0 =	rddreg [dreg:$0x0];
	s2 =	stileid.u32  }
0x171: {  	s1 =	rddreg [dreg:$0x1];
	p0 =	sne.s32 s2, $0x0  }
0x172: {  	s3 =	rddreg [dreg:$0x2];
	[bflag:$0x3] =	sbarrier.arrive $0xFFFF;
	s2 =	simm.s32 @!p0 $0x1C11  }
0x173: {  	[timem:s3], [sflag:s2] =	dma.local @!p0 [hbm:s0], s1  }
0x174: {  	s0 =	simm.s32 @!p0 $0x11  }
0x175: {  	_ =	swait.ge @!p0 [sflag:s0], s1  }
0x176: {  	s1 =	ssub.s32 @!p0 $0x0, s1;
	[sflag:s0] =	ssyncset.done @!p0 $0x0  }
0x177: {  	[sflag:s0] =	ssyncadd.s32 @!p0 s1  }
0x178: {  	[bflag:$0x3] =	sbarrier.arrive $0xFFFF  }
0x179: {  	_ =	shalt  }

// kernel: sparse-core-data-format-call.cloned.1.call-start
scs
called_computation_lowered:
.L_overlay_start_0:
0x0: {  	s2 =	sld [smem:$0x3FD9]  }
0x1: {  	s3 =	sld [smem:$0x3FFE];
	_ =	sdelay $0x1  }
0x2: {  	s1 =	srdreg.scid  }
0x3: {  	s0 =	sand.u32 $0x1, s1  }
0x4: {  	s18 =	sshll.u32 s0, $0xA;
	s2 =	sadd.s32 s3, s2  }
0x5: {  	s2 =	sadd.s32 s2, s18  }
0x6: {  	[smem:$0x3FC6] =	sst s2  }
0x7: {  	_ = 	snop  }
0x8: {  	s2 =	sld [smem:$0x3FD0];
	(tm) =	ssettm $0x1  }
0x9: {  	s19 =	sld [smem:$0x3FFB];
	_ =	sdelay $0x3  }
0xa: {  	_ =	strace s19  }
0xb: {  	s3 =	sld [smem:$0x3FFC];
	_ =	sdelay $0x3  }
0xc: {  	_ =	strace s3  }
0xd: {  	s3 =	sld [smem:$0x3FFD];
	_ =	sdelay $0x3  }
0xe: {  	_ =	strace s3  }
0xf: {  	_ =	strace $0x8FFFFFFF  }
0x10: {  	s20 =	sld [smem:$0x3FDB];
	_ =	sdelay $0x1  }
0x11: {  	s4 =	simm.s32 $_scs_section_size  }
0x12: {  	s5 =	simm.s32 $_size__tile_overlayer_lowered;
	s6 =	simm.s32 $_tile_overlayer_lowered  }
0x13: {  	s23 =	simm.s32 $0x1BFF;
	s22 =	sshll.u32 s6, $0x1;
	s3 =	sadd.s32 s4, s20  }
0x14: {  	s7 =	simm.s32 $0x0;
	s21 =	sshll.u32 s5, $0x1;
	s5 =	sadd.s32 s22, s3  }
0x15: {  	[timem:s7], [sflag:s23] =	dma.local [hbm:s5], s21  }
0x16: {  	_ =	swait.ge [sflag:s23], s21  }
0x17: {  	s4 =	ssub.s32 $0x0, s21;
	[sflag:s23] =	ssyncset.done $0x0  }
0x18: {  	[sflag:s23] =	ssyncadd.s32 s4;
	_ =	sdelay $0x1  }
0x19: {  	s24 =	simm.s32 $0x1B8B  }
0x1a: {  	_ =	swait.ge [sflag:s24], $0x1  }
0x1b: {  	[sflag:s24] =	ssyncset.done $0x0  }
0x1c: {  	s26 =	simm.s32 $0x1B8E;
	s25 =	sld [smem:$0x3FFE];
	[sflag:s24] =	ssyncadd.s32 $0xFFFFFFFF  }
0x1d: {  	s27 =	simm.s32 $execute0_lowered;
	[smem:$0x3FD2] =	sst s26  }
0x1e: {  	s5 =	sshll.u32 s27, $0x1;
	_ =	strace $0x80000049;
	[dreg:$0x1] =	wrdreg $0xFFFFFFFF  }
0x1f: {  	s28 =	simm.s32 $_size_execute0_lowered;
	s3 =	sadd.s32 s3, s5;
	[dreg:$0x0] =	wrdreg $0x0  }
0x20: {  	s5 =	sshll.u32 s28, $0x1;
	[dreg:$0x2] =	wrdreg s3  }
0x21: {  	[dreg:$0x3] =	wrdreg s5  }
0x22: {  	[dreg:$0x4] =	wrdreg $0xC0  }
0x23: {  	_ =	task [dreg:s7], $0x5FFFF  }
0x24: {  	[dreg:$0x1] =	wrdreg $0xFFFFFFFF  }
0x25: {  	[dreg:$0x0] =	wrdreg $0x60  }
0x26: {  	[dreg:$0x2] =	wrdreg s25  }
0x27: {  	[dreg:$0x3] =	wrdreg s2  }
0x28: {  	[dreg:$0x4] =	wrdreg $0x9  }
0x29: {  	_ =	task.clear_ibuf [dreg:s7], $0x5FFFF;
	_ =	strace $0x90000049  }
0x2a: {  	s29 =	simm.s32 $0x9;
	_ =	strace $0x8000004B  }
0x2b: {  	_ =	swait.ge [sflag:s29], $0x1  }
0x2c: {  	[sflag:s29] =	ssyncadd.s32 $0xFFFFFFFF  }
0x2d: {  	_ =	strace $0x9000004B  }
0x2e: {  	_ =	sfence  }
0x2f: {  	s30 =	sld [smem:$0x0];
	_ =	sdelay $0x2  }
0x30: {  	s31 =	sshll.u32 s1, $0xD;
	s1 =	sshrl.u32 s1, $0x2  }
0x31: {  	s3 =	sand.u32 $0x4000, s31;
	s1 =	sadd.s32 s1, s30  }
0x32: {  	s0 =	sor.u32 s3, s0;
	s1 =	sshll.u32 s1, $0x11  }
0x33: {  	s0 =	sor.u32 s1, s0  }
0x34: {  	s0 =	sadd.s32 $0x8F2B, s0  }
0x35: {  	[sflag:s0] =	ssyncadd.remote.s32 $0x1  }
0x36: {  	_ =	sfence.sel $0xFFFF  }
0x37: {  	[dreg:$0x0] =	wrdreg $0xFFFFFFFF;
	(pc) =	sbr.abs _section_cstart, $3  }
0x38: {  	[dreg:$0x1] =	wrdreg $0xFFFFFFFF  }
0x39: {  	_ =	task.clear_ibuf [dreg:s7], $0x2FFFF;
	_ =	strace $0x9FFFFFFF  }
0x3a: {  	(tm) =	ssettm $0x7FFFFFFF  }
0x3b: {  	_ =	shalt  }
tec
execute0_lowered:
.L_overlay_start_1:
0x0: {  	(tag) =	ssettag $0x1  }
0x1: {  	s0 =	srdreg.scid  }
0x2: {  	s1 =	sshll.u32 s0, $0x4  }
0x3: {  	s0 =	stileid.u32;
	s1 =	sand.u32 $0x10, s1  }
0x4: {  	s1 =	sor.u32 s0, s1  }
0x5: {  	s6 =	rddreg [dreg:$0x0];
	s4 =	simm.s32 $0x1;
	s2 =	sshll.u32 s1, $0x7  }
0x6: {  	s7 =	simm.s32 $0x2;
	s12 =	simm.s32 $0x0;
	s1 =	ssub.s32 $0x1000, s2  }
0x7: {  	s8 =	simm.s32 $0x8000;
	s13 =	simm.s32 $0x0;
	s3 =	sand.u32 $0xF80, s1  }
0x8: {  	s9 =	simm.s32 $0x0;
	s5 =	sshrl.u32 s1, $0xC;
	p0 =	sne.s32 s3, $0x0  }
.Ltmp0:
0x9: {  	s1 =	rddreg [dreg:$0x2];
	s4 =	simm.s32 @!p0 $0x0;
	(pc) =	sbr.rel .LBB1_1-.Ltmp0, $4  }
0xa: {  	s11 =	simm.s32 $0x0;
	s3 =	rddreg [dreg:$0x1];
	s5 =	sadd.s32 s4, s5  }
0xb: {  	_ =	strace $0x8000004A;
	s4 =	simm.s32 $0x1;
	s5 =	smul.u32 $0xC8, s5  }
0xc: {  	s6 =	sadd.s32 $0xF42C00, s6;
	s10 =	smov.u32 s2;
	[sflag:s4] =	ssyncpa.u1 $0x0  }
0xd: {  	p0 =	por $0x0, $0x0;
	[sflag:s7] =	ssyncpa.u1 $0x0;
	s7 =	sor.u32 $0x1, s5  }
.LBB1_4:
0xe: {  	s16 =	sshll.u32 s13, $0x3;
	s17 =	sand.u32 $0x78, s13  }
0xf: {  	s30 =	sand.u32 $0x7E00, s13;
	s12 =	sshll.u32 s12, $0xF;
	s16 =	sand.u32 $0xC00, s16  }
0x10: {  	[tilespmem:s15+$0x810 ss:$0x81] =	vst.msk $0xffff, v2;
	s31 =	sand.u32 $0x7, s13;
	s16 =	sor.u32 s17, s16;
	s17 =	sadd.s32 s3, s30  }
0x11: {  	[tilespmem:s15+$0x1020 ss:$0x81] =	vst.msk $0xffff, v0;
	s13 =	sshll.u32 s31, $0x12;
	s12 =	sadd.s32 s12, s17;
	s16 =	sshrl.u32 s16, $0x3  }
0x12: {  	[tilespmem:s15+$0x0 ss:$0x81] =	vst.msk $0xffff, v1;
	s13 =	sor.u32 $0x400, s13;
	s12 =	sadd.s32 s16, s12  }
0x13: {  	[hbm4b:s12+s13] =	stream.strided.scatter [tilespmem:s14], [sflag:$0x2], $0x2000, s8, s13, $0x20;
	[tilespmem:$0x8080] =	vst v63  }
.LBB1_5:
0x14: {  	s14 =	sadd.s32 $0x1, s9  }
0x15: {  	s12 =	sadd.s32 $0x1000, s10;
	s16 =	smov.u32 s10;
	p2 =	sgt.s32 s14, $0xC7  }
0x16: {  	s16 =	smov.u32 @p2 s12  }
0x17: {  	s14 =	simm.s32 @p2 $0x0;
	p2 =	sgt.s32 s16, $0xFFF  }
0x18: {  	s16 =	smov.u32 @p2 s2;
	p2 =	sne.s32 s11, s7  }
.Ltmp1:
0x19: {  	p1 =	slt.u32 s11, $0x2;
	(pc) =	sbr.rel @!p2 .LBB1_6-.Ltmp1, $4  }
0x1a: {  	s15 =	simm.s32 @!p1 $0x2  }
0x1b: {  	s13 =	smov.u32 s10;
	p0 =	por !p0, !p0;
	_ =	swait.ge @!p1 [sflag:s15], $0x2000  }
0x1c: {  	s12 =	smov.u32 s9;
	[sflag:s15] =	ssyncset.done @!p1 $0x0;
	s9 =	smov.u32 s14  }
0x1d: {  	s11 =	sadd.s32 $0x1, s11;
	[sflag:s15] =	ssyncadd.s32 @!p1 $0xFFFFE000;
	s10 =	smov.u32 s16  }
.LBB1_1:
0x1e: {  	p1 =	sge.u32 s11, s5  }
0x1f: {  	s14 =	sand.u32 @!p1 $0x1FFFFFF, s9  }
0x20: {  	s15 =	smulhi.u32 @!p1 $0x147AE15, s14;
	_ =	sdelay $0x1  }
0x21: {  	s15 =	smul.u32 @!p1 $0xC8, s15  }
0x22: {  	s16 =	sxor.u32 @!p1 $0xFFFFFFFF, s11;
	s17 =	smul.u32 @!p1 $0xC80, s10  }
0x23: {  	s31 =	sadd.s32 $0xFFFFFFFF, s11;
	s16 =	sshll.u32 @!p1 s16, $0xD;
	s14 =	ssub.s32 @!p1 s14, s15  }
0x24: {  	s15 =	sand.u32 @!p1 $0x2000, s16;
	s16 =	sadd.s32 @!p1 s6, s17;
	s14 =	sshll.u32 @!p1 s14, $0x4  }
0x25: {  	s17 =	simm.s32 @!p1 $0x6400;
	s14 =	sadd.s32 @!p1 s14, s16;
	s16 =	simm.s32 @!p1 $0x40  }
0x26: {  	[tilespmem:s15], [sflag:$0x1] =	stream.strided.gather @!p1 [hbm4b:s14+s16], $0x2000, s17, s16, $0x38;
	[tilespmem:$0x8080] =	vst v63  }
0x27: {  	p1 =	sge.u32 s31, s5  }
.Ltmp2:
0x28: {  	_ = 	snop;
	(pc) =	sbr.rel @p1 .LBB1_5-.Ltmp2, $1  }
0x29: {  	_ =	sdelay $0x3  }
0x2a: {  	s14 =	simm.s32 $0x1  }
0x2b: {  	_ =	swait.ge [sflag:s4], $0x2000;
	s14 =	simm.s32 @!p0 $0x0  }
0x2c: {  	[sflag:s4] =	ssyncset.done $0x0;
	s15 =	sshll.u32 s14, $0xD  }
0x2d: {  	[sflag:s4] =	ssyncadd.s32 $0xFFFFE000;
	s18 =	sor.u32 $0x20, s15  }
0x2e: {  	s14 =	smul.u32 $0x8100, s14;
	v3 =	vld [tilespmem:s18+$0x10]  }
0x2f: {  	s30 =	sand.u32 $0x1, s11;
	v2 =	vld [tilespmem:s18+$0xFFFFFFF0]  }
0x30: {  	s15 =	smul.u32 $0x8100, s30;
	s14 =	sshrl.u32 s14, $0x2;
	v0 =	vld [tilespmem:s18+$0x0]  }
0x31: {  	v1 =	vld [tilespmem:s18+$0xFFFFFFE0];
	s16 =	sor.u32 $0x4000, s14  }
0x32: {  	s31 =	sshrl.u32 s15, $0x2;
	s15 =	sadd.s32 $0x0, s16  }
0x33: {  	s17 =	simm.s32 $0x4;
	s18 =	sadd.s32 $0x40, s18;
	s14 =	sor.u32 $0x4000, s31;
	[tilespmem:s15+$0x1830 ss:$0x81] =	vst.msk $0xffff, v3  }
.LBB1_3:
0x34: {  	v3 =	vld [tilespmem:s18+$0x10];
	p1 =	sne.s32 s17, $0x1FC;
	[tilespmem:s15+$0x810 ss:$0x81] =	vst.msk $0xffff, v2;
	s19 =	smov.u32 s17;
	s17 =	sadd.s32 $0x4, s17  }
.Ltmp3:
0x35: {  	v2 =	vld [tilespmem:s18+$0xFFFFFFF0];
	[tilespmem:s15+$0x1020 ss:$0x81] =	vst.msk $0xffff, v0;
	(pc) =	sbr.rel @p1 .LBB1_3-.Ltmp3, $4  }
0x36: {  	v0 =	vld [tilespmem:s18+$0x0];
	[tilespmem:s15+$0x0 ss:$0x81] =	vst.msk $0xffff, v1  }
0x37: {  	s15 =	sshra.s32 s19, $0x2;
	v1 =	vld [tilespmem:s18+$0xFFFFFFE0]  }
0x38: {  	s15 =	sadd.s32 s15, s16  }
0x39: {  	s18 =	sadd.s32 $0x40, s18;
	[tilespmem:s15+$0x1830 ss:$0x81] =	vst.msk $0xffff, v3  }
.Ltmp4:
0x3a: {  	_ = 	snop;
	(pc) =	sbr.rel .LBB1_4-.Ltmp4, $1  }
0x3b: {  	_ =	sdelay $0x3  }
.LBB1_6:
0x3c: {  	_ =	sfence.sel $0x180000  }
0x3d: {  	s2 =	simm.s32 $0x1;
	[bflag:$0x0] =	sbarrier.arrive $0xFFFF  }
0x3e: {  	s31 =	simm.s32 $0x2;
	[sflag:s2] =	ssyncpa.u1 $0x1  }
0x3f: {  	[sflag:s31] =	ssyncpa.u1 $0x1  }
0x40: {  	p0 =	sne.s32 s0, $0x0;
	_ =	strace $0x9000004A  }
0x41: {  	s0 =	sadd.s32 @!p0 $0x100000, s1;
	[bflag:$0x2] =	sbarrier.arrive $0xFFFF  }
0x42: {  	[sflag:s0] =	ssyncadd.tile.s32 @!p0 $0x1;
	_ =	shalt  }
.Lfunc_end1:
_tile_overlayer_lowered:
.L_overlay_start_2:
0x43: {  	(tag) =	ssettag $0x2  }
0x44: {  	s0 =	rddreg [dreg:$0x0];
	s2 =	stileid.u32  }
0x45: {  	s1 =	rddreg [dreg:$0x1];
	p0 =	sne.s32 s2, $0x0  }
0x46: {  	s3 =	rddreg [dreg:$0x2];
	[bflag:$0x3] =	sbarrier.arrive $0xFFFF;
	s2 =	simm.s32 @!p0 $0x1C01  }
0x47: {  	[timem:s3], [sflag:s2] =	dma.local @!p0 [hbm:s0], s1  }
0x48: {  	s0 =	simm.s32 @!p0 $0x1  }
0x49: {  	_ =	swait.ge @!p0 [sflag:s0], s1  }
0x4a: {  	s1 =	ssub.s32 @!p0 $0x0, s1;
	[sflag:s0] =	ssyncset.done @!p0 $0x0  }
0x4b: {  	[sflag:s0] =	ssyncadd.s32 @!p0 s1  }
0x4c: {  	[bflag:$0x3] =	sbarrier.arrive $0xFFFF  }
0x4d: {  	_ =	shalt  }

</sc_bundles>
